<compile_context>
chip_gen: v7x
topology: tpu7x:2x2x1
jax: 0.10.2.dev20260603
libtpu: 0.0.44.dev20260713+nightly
codegen_flags: <defaults>
</compile_context>

<pallas_src>
import jax
import jax.numpy as jnp
from jax import lax
from jax.experimental import pallas as pl
from jax.experimental.pallas import tpu as pltpu
from jax.experimental.pallas import tpu_sc as plsc

N = 16384
LEVELS = 100
TIMESTAMPS = 1000
DIM = 1024
NCORES = 2
NSUB = 16
NW = NCORES * NSUB
RPW = N // NW
KROWS = 384
HSIZE = KROWS * TIMESTAMPS
ZCH = HSIZE // NSUB
NIDX = 3 * RPW
NBUF = NIDX // 128

_MAGIC = 12582912.0


def _quant(v, low, hl, n):
    f = (v - low) / hl * float(n - 1)
    r = (f + _MAGIC) - _MAGIC
    r = jnp.minimum(jnp.maximum(r, 0.0), float(n - 1))
    return r.astype(jnp.int32)


def _sc_body(t_hbm, x_hbm, y_hbm, z_hbm, ones_hbm, out_hbm, tcol, xcol, ycol,
             zcol, ones_v, zbuf, hist, sem_in, sem_z, *idxbufs):
    cid = lax.axis_index("c")
    sid = lax.axis_index("s")
    wid = cid * NSUB + sid
    base = wid * RPW
    ld_t = pltpu.async_copy(t_hbm.at[pl.ds(base, RPW)], tcol, sem_in)
    ld_x = pltpu.async_copy(x_hbm.at[pl.ds(base, RPW)], xcol, sem_in)
    ld_y = pltpu.async_copy(y_hbm.at[pl.ds(base, RPW)], ycol, sem_in)
    ld_z = pltpu.async_copy(z_hbm.at[pl.ds(base, RPW)], zcol, sem_in)
    ld_1 = pltpu.async_copy(ones_hbm, ones_v, sem_in)

    def _zfill(i, carry):
        for j in range(4):
            zbuf[pl.ds(i * 64 + j * 16, 16)] = jnp.zeros((16,), jnp.float32)
        return carry

    lax.fori_loop(0, ZCH // 64, _zfill, 0)
    zcp = pltpu.async_copy(zbuf, hist.at[pl.ds(sid * ZCH, ZCH)], sem_z)

    ld_t.wait()
    ld_x.wait()
    ld_y.wait()
    ld_z.wait()
    ld_1.wait()

    for g in range(4):

        def _grp(j, carry):
            r = g * 128 + j * 16
            ti = _quant(tcol[pl.ds(r, 16)], 0.0, float(TIMESTAMPS), TIMESTAMPS)
            xi = _quant(xcol[pl.ds(r, 16)], -5.0, 10.0, LEVELS)
            yi = _quant(ycol[pl.ds(r, 16)], -5.0, 10.0, LEVELS)
            zi = _quant(zcol[pl.ds(r, 16)], -5.0, 10.0, LEVELS)
            idxbufs[3 * g][pl.ds(j * 16, 16)] = xi * TIMESTAMPS + ti
            idxbufs[3 * g + 1][pl.ds(j * 16, 16)] = (
                yi * TIMESTAMPS + ti + 128 * TIMESTAMPS)
            idxbufs[3 * g + 2][pl.ds(j * 16, 16)] = (
                zi * TIMESTAMPS + ti + 256 * TIMESTAMPS)
            return carry

        lax.fori_loop(0, 8, _grp, 0)

    zcp.wait()
    plsc.subcore_barrier()
    for b in range(NBUF):
        pltpu.sync_copy(ones_v, hist.at[idxbufs[b]], add=True)
    plsc.subcore_barrier()
    pltpu.sync_copy(hist.at[pl.ds(sid * ZCH, ZCH)], zbuf)
    pltpu.sync_copy(zbuf, out_hbm.at[pl.ds(cid * HSIZE + sid * ZCH, ZCH)])


_sc_hist = pl.kernel(
    _sc_body,
    out_type=jax.ShapeDtypeStruct((NCORES * HSIZE,), jnp.float32),
    mesh=plsc.VectorSubcoreMesh(core_axis_name="c", subcore_axis_name="s"),
    scratch_types=[
        pltpu.VMEM((RPW,), jnp.float32),
        pltpu.VMEM((RPW,), jnp.float32),
        pltpu.VMEM((RPW,), jnp.float32),
        pltpu.VMEM((RPW,), jnp.float32),
        pltpu.VMEM((128,), jnp.float32),
        pltpu.VMEM((ZCH,), jnp.float32),
        pltpu.VMEM_SHARED((HSIZE,), jnp.float32),
        pltpu.SemaphoreType.DMA,
        pltpu.SemaphoreType.DMA,
        *[pltpu.VMEM((128,), jnp.int32) for _ in range(NBUF)],
    ],
)


def _tc_body(hist_ref, t_ref, lx_ref, ly_ref, lz_ref, cw_ref, out_ref):
    g = hist_ref[0] + hist_ref[1]
    gi = g.astype(jnp.int32)
    hi = (gi >> 8).astype(jnp.bfloat16)
    lo = (gi & 255).astype(jnp.bfloat16)
    tb = t_ref[...].astype(jnp.bfloat16)
    u = (jnp.dot(hi, tb, preferred_element_type=jnp.float32) * 256.0
         + jnp.dot(lo, tb, preferred_element_type=jnp.float32))
    sx = jnp.sum(lx_ref[...] * u[0:LEVELS], axis=0, keepdims=True)
    sy = jnp.sum(ly_ref[...] * u[128:128 + LEVELS], axis=0, keepdims=True)
    sz = jnp.sum(lz_ref[...] * u[256:256 + LEVELS], axis=0, keepdims=True)
    s = cw_ref[0:1] * sx + cw_ref[1:2] * sy + cw_ref[2:3] * sz
    out_ref[...] = jnp.where(s > 0.0, jnp.float32(1.0), jnp.float32(-1.0))


_tc_reduce = pl.pallas_call(
    _tc_body,
    out_shape=jax.ShapeDtypeStruct((1, DIM), jnp.float32),
)


def kernel(input, level_x_weight, level_y_weight, level_z_weight, time_weight,
           channel_weight):
    cols = input.T
    ones = jnp.ones((128,), jnp.float32)
    hist = _sc_hist(cols[0], cols[1], cols[2], cols[3], ones)
    out = _tc_reduce(hist.reshape(NCORES, KROWS, TIMESTAMPS), time_weight,
                     level_x_weight, level_y_weight, level_z_weight,
                     channel_weight)
    return out.reshape(DIM)

# --- scband reference (transcript-rebuilt; emitter-appended) ---
"""Pipeline reference for scband-encoder-30210799960164 (READ-ONLY COPY).

The authoritative reference and input builder live on the scoring server;
editing this copy changes nothing except your own understanding.
"""

import jax, jax.numpy as jnp
import numpy as np

LEVELS = 100
TIMESTAMPS = 1000
DIM = 1024
N = 16384
NUM_CHANNELS = 3


def _rademacher(key, shape):
    # torchhd MAP hypervectors are random +/-1 vectors
    return jnp.where(jax.random.bernoulli(key, 0.5, shape), 1.0, -1.0).astype(jnp.float32)


def _value_to_index(value, low, high, n):
    # torchhd.functional.value_to_index followed by clamp (as in embeddings.Level/Thermometer)
    idx = jnp.round((value - low) / (high - low) * (n - 1)).astype(jnp.int32)
    return jnp.clip(idx, 0, n - 1)


def setup_inputs(seed: int = 0) -> dict:
    key = jax.random.key(seed)
    ks = jax.random.split(key, 6)
    u = jax.random.uniform(ks[0], (N, 4), dtype=jnp.float32)
    # column 0: timestamps in [0, TIMESTAMPS); columns 1-3: signal values in [-5, 5)
    t = u[:, 0:1] * TIMESTAMPS
    xyz = u[:, 1:4] * 10.0 - 5.0
    inp = jnp.concatenate([t, xyz], axis=1)
    return {
        "input": inp,
        "level_x_weight": _rademacher(ks[1], (LEVELS, DIM)),
        "level_y_weight": _rademacher(ks[2], (LEVELS, DIM)),
        "level_z_weight": _rademacher(ks[3], (LEVELS, DIM)),
        "time_weight": _rademacher(ks[4], (TIMESTAMPS, DIM)),
        "channel_weight": _rademacher(ks[5], (NUM_CHANNELS, DIM)),
    }


def reference(input, level_x_weight, level_y_weight, level_z_weight, time_weight, channel_weight):
    # embeddings.Level(...) : quantize value -> index -> embedding lookup
    x_idx = _value_to_index(input[:, 1], -5.0, 5.0, LEVELS)
    y_idx = _value_to_index(input[:, 2], -5.0, 5.0, LEVELS)
    z_idx = _value_to_index(input[:, 3], -5.0, 5.0, LEVELS)
    t_idx = _value_to_index(input[:, 0], 0.0, float(TIMESTAMPS), TIMESTAMPS)

    x_levels = jnp.take(level_x_weight, x_idx, axis=0)  # [N, D]
    y_levels = jnp.take(level_y_weight, y_idx, axis=0)  # [N, D]
    z_levels = jnp.take(level_z_weight, z_idx, axis=0)  # [N, D]
    times = jnp.take(time_weight, t_idx, axis=0)        # [N, D]

    # torchhd.bind (MAP) = elementwise multiply; torchhd.multiset = sum over dim=-2
    x_hv = jnp.sum(x_levels * times, axis=-2)  # [D]
    y_hv = jnp.sum(y_levels * times, axis=-2)  # [D]
    z_hv = jnp.sum(z_levels * times, axis=-2)  # [D]

    sample_hvs = jnp.stack((x_hv, y_hv, z_hv))          # [3, D]
    sample_hvs = channel_weight * sample_hvs            # bind with channel basis
    sample_hv = jnp.sum(sample_hvs, axis=-2)            # multiset -> [D]
    sample_hv = jnp.tanh(sample_hv)
    # torchhd.hard_quantize: where(x > 0, 1, -1)
    return jnp.where(sample_hv > 0, jnp.float32(1.0), jnp.float32(-1.0))

if __name__ == "__main__":
    import jax
    _d = setup_inputs()
    print(jax.jit(kernel)(*tuple(_d.values())))

</pallas_src>

<mosaic_0001>
#map = affine_map<(d0, d1) -> (0)>
module attributes {stable_mosaic.version = 14 : i64} {
  func.func @_sc_body(%arg0: i32, %arg1: i32, %arg2: memref<16384xf32, #tpu.memory_space<hbm>>, %arg3: memref<16384xf32, #tpu.memory_space<hbm>>, %arg4: memref<16384xf32, #tpu.memory_space<hbm>>, %arg5: memref<16384xf32, #tpu.memory_space<hbm>>, %arg6: memref<128xf32, #tpu.memory_space<hbm>>, %arg7: memref<768000xf32, #tpu.memory_space<hbm>>, %arg8: memref<512xf32, #tpu.memory_space<vmem>>, %arg9: memref<512xf32, #tpu.memory_space<vmem>>, %arg10: memref<512xf32, #tpu.memory_space<vmem>>, %arg11: memref<512xf32, #tpu.memory_space<vmem>>, %arg12: memref<128xf32, #tpu.memory_space<vmem>>, %arg13: memref<24000xf32, #tpu.memory_space<vmem>>, %arg14: memref<384000xf32, #tpu.memory_space<vmem_shared>>, %arg15: memref<!tpu.dma_semaphore, #tpu.memory_space<semaphore_mem>>, %arg16: memref<!tpu.dma_semaphore, #tpu.memory_space<semaphore_mem>>, %arg17: memref<128xi32, #tpu.memory_space<vmem>>, %arg18: memref<128xi32, #tpu.memory_space<vmem>>, %arg19: memref<128xi32, #tpu.memory_space<vmem>>, %arg20: memref<128xi32, #tpu.memory_space<vmem>>, %arg21: memref<128xi32, #tpu.memory_space<vmem>>, %arg22: memref<128xi32, #tpu.memory_space<vmem>>, %arg23: memref<128xi32, #tpu.memory_space<vmem>>, %arg24: memref<128xi32, #tpu.memory_space<vmem>>, %arg25: memref<128xi32, #tpu.memory_space<vmem>>, %arg26: memref<128xi32, #tpu.memory_space<vmem>>, %arg27: memref<128xi32, #tpu.memory_space<vmem>>, %arg28: memref<128xi32, #tpu.memory_space<vmem>>) attributes {dimension_semantics = [#tpu.dimension_semantics<core_parallel>, #tpu.dimension_semantics<subcore_parallel>], iteration_bounds = array<i64: 2, 16>, scalar_prefetch = 0 : i64, scratch_operands = 21 : i64, tpu.core_type = #tpu.core_type<sc_vector_subcore>, window_params = [{transform_indices = #map}, {transform_indices = #map}, {transform_indices = #map}, {transform_indices = #map}, {transform_indices = #map}, {transform_indices = #map}]} {
    %mul3A = arith.constant 16 : i32
    %mul3A_0 = arith.muli %arg0, %mul3A : i32
    %add3A = arith.addi %mul3A_0, %arg1 : i32
    %mul3A_1 = arith.constant 512 : i32
    %mul3A_2 = arith.muli %add3A, %mul3A_1 : i32
    %dma_start3A = tpu.memref_slice %arg2[%mul3A_2] : memref<16384xf32, #tpu.memory_space<hbm>> -> memref<512xf32, #tpu.memory_space<hbm>>
    %dma_start3A_3 = tpu.memref_slice %arg2[%mul3A_2] : memref<16384xf32, #tpu.memory_space<hbm>> -> memref<512xf32, #tpu.memory_space<hbm>>
    tpu.enqueue_dma source(%dma_start3A_3 : memref<512xf32, #tpu.memory_space<hbm>>) target(%arg8 : memref<512xf32, #tpu.memory_space<vmem>>) target_semaphore(%arg15 : memref<!tpu.dma_semaphore, #tpu.memory_space<semaphore_mem>>)
    %dma_start3A_4 = tpu.memref_slice %arg3[%mul3A_2] : memref<16384xf32, #tpu.memory_space<hbm>> -> memref<512xf32, #tpu.memory_space<hbm>>
    %dma_start3A_5 = tpu.memref_slice %arg3[%mul3A_2] : memref<16384xf32, #tpu.memory_space<hbm>> -> memref<512xf32, #tpu.memory_space<hbm>>
    tpu.enqueue_dma source(%dma_start3A_5 : memref<512xf32, #tpu.memory_space<hbm>>) target(%arg9 : memref<512xf32, #tpu.memory_space<vmem>>) target_semaphore(%arg15 : memref<!tpu.dma_semaphore, #tpu.memory_space<semaphore_mem>>)
    %dma_start3A_6 = tpu.memref_slice %arg4[%mul3A_2] : memref<16384xf32, #tpu.memory_space<hbm>> -> memref<512xf32, #tpu.memory_space<hbm>>
    %dma_start3A_7 = tpu.memref_slice %arg4[%mul3A_2] : memref<16384xf32, #tpu.memory_space<hbm>> -> memref<512xf32, #tpu.memory_space<hbm>>
    tpu.enqueue_dma source(%dma_start3A_7 : memref<512xf32, #tpu.memory_space<hbm>>) target(%arg10 : memref<512xf32, #tpu.memory_space<vmem>>) target_semaphore(%arg15 : memref<!tpu.dma_semaphore, #tpu.memory_space<semaphore_mem>>)
    %dma_start3A_8 = tpu.memref_slice %arg5[%mul3A_2] : memref<16384xf32, #tpu.memory_space<hbm>> -> memref<512xf32, #tpu.memory_space<hbm>>
    %dma_start3A_9 = tpu.memref_slice %arg5[%mul3A_2] : memref<16384xf32, #tpu.memory_space<hbm>> -> memref<512xf32, #tpu.memory_space<hbm>>
    tpu.enqueue_dma source(%dma_start3A_9 : memref<512xf32, #tpu.memory_space<hbm>>) target(%arg11 : memref<512xf32, #tpu.memory_space<vmem>>) target_semaphore(%arg15 : memref<!tpu.dma_semaphore, #tpu.memory_space<semaphore_mem>>)
    tpu.enqueue_dma source(%arg6 : memref<128xf32, #tpu.memory_space<hbm>>) target(%arg12 : memref<128xf32, #tpu.memory_space<vmem>>) target_semaphore(%arg15 : memref<!tpu.dma_semaphore, #tpu.memory_space<semaphore_mem>>)
    %scan3A = arith.constant 0 : i32
    %scan3A_10 = arith.constant 0 : i32
    %scan3A_11 = arith.constant 375 : i32
    %scan3A_12 = arith.addi %scan3A_10, %scan3A_11 : i32
    %scan3A_13 = arith.constant 1 : i32
    scf.for %scan3A_60 = %scan3A_10 to %scan3A_12 step %scan3A_13  : i32 {
      %broadcast_in_dim3A = arith.constant 0.000000e+00 : f32
      %broadcast_in_dim3A_61 = vector.broadcast %broadcast_in_dim3A : f32 to vector<16xf32>
      %mul3A_62 = arith.constant 64 : i32
      %mul3A_63 = arith.muli %scan3A_60, %mul3A_62 : i32
      %add3A_64 = arith.constant 0 : i32
      %add3A_65 = arith.addi %mul3A_63, %add3A_64 : i32
      %swap3A = arith.index_cast %add3A_65 : i32 to index
      %swap3A_66 = tpu.vector_load %arg13[%swap3A] {strides = array<i32>} : memref<24000xf32, #tpu.memory_space<vmem>>, vector<16xf32>,
      %swap3A_67 = vector.shape_cast %swap3A_66 : vector<16xf32> to vector<16xf32>
      %swap3A_68 = vector.shape_cast %broadcast_in_dim3A_61 : vector<16xf32> to vector<16xf32>
      tpu.vector_store %arg13[%swap3A], %swap3A_68 {strides = array<i32>} : memref<24000xf32, #tpu.memory_space<vmem>>, vector<16xf32>,
      %broadcast_in_dim3A_69 = arith.constant 0.000000e+00 : f32
      %broadcast_in_dim3A_70 = vector.broadcast %broadcast_in_dim3A_69 : f32 to vector<16xf32>
      %mul3A_71 = arith.constant 64 : i32
      %mul3A_72 = arith.muli %scan3A_60, %mul3A_71 : i32
      %add3A_73 = arith.constant 16 : i32
      %add3A_74 = arith.addi %mul3A_72, %add3A_73 : i32
      %swap3A_75 = arith.index_cast %add3A_74 : i32 to index
      %swap3A_76 = tpu.vector_load %arg13[%swap3A_75] {strides = array<i32>} : memref<24000xf32, #tpu.memory_space<vmem>>, vector<16xf32>,
      %swap3A_77 = vector.shape_cast %swap3A_76 : vector<16xf32> to vector<16xf32>
      %swap3A_78 = vector.shape_cast %broadcast_in_dim3A_70 : vector<16xf32> to vector<16xf32>
      tpu.vector_store %arg13[%swap3A_75], %swap3A_78 {strides = array<i32>} : memref<24000xf32, #tpu.memory_space<vmem>>, vector<16xf32>,
      %broadcast_in_dim3A_79 = arith.constant 0.000000e+00 : f32
      %broadcast_in_dim3A_80 = vector.broadcast %broadcast_in_dim3A_79 : f32 to vector<16xf32>
      %mul3A_81 = arith.constant 64 : i32
      %mul3A_82 = arith.muli %scan3A_60, %mul3A_81 : i32
      %add3A_83 = arith.constant 32 : i32
      %add3A_84 = arith.addi %mul3A_82, %add3A_83 : i32
      %swap3A_85 = arith.index_cast %add3A_84 : i32 to index
      %swap3A_86 = tpu.vector_load %arg13[%swap3A_85] {strides = array<i32>} : memref<24000xf32, #tpu.memory_space<vmem>>, vector<16xf32>,
      %swap3A_87 = vector.shape_cast %swap3A_86 : vector<16xf32> to vector<16xf32>
      %swap3A_88 = vector.shape_cast %broadcast_in_dim3A_80 : vector<16xf32> to vector<16xf32>
      tpu.vector_store %arg13[%swap3A_85], %swap3A_88 {strides = array<i32>} : memref<24000xf32, #tpu.memory_space<vmem>>, vector<16xf32>,
      %broadcast_in_dim3A_89 = arith.constant 0.000000e+00 : f32
      %broadcast_in_dim3A_90 = vector.broadcast %broadcast_in_dim3A_89 : f32 to vector<16xf32>
      %mul3A_91 = arith.constant 64 : i32
      %mul3A_92 = arith.muli %scan3A_60, %mul3A_91 : i32
      %add3A_93 = arith.constant 48 : i32
      %add3A_94 = arith.addi %mul3A_92, %add3A_93 : i32
      %swap3A_95 = arith.index_cast %add3A_94 : i32 to index
      %swap3A_96 = tpu.vector_load %arg13[%swap3A_95] {strides = array<i32>} : memref<24000xf32, #tpu.memory_space<vmem>>, vector<16xf32>,
      %swap3A_97 = vector.shape_cast %swap3A_96 : vector<16xf32> to vector<16xf32>
      %swap3A_98 = vector.shape_cast %broadcast_in_dim3A_90 : vector<16xf32> to vector<16xf32>
      tpu.vector_store %arg13[%swap3A_95], %swap3A_98 {strides = array<i32>} : memref<24000xf32, #tpu.memory_space<vmem>>, vector<16xf32>,
    }
    %scan3A_14 = arith.constant 375 : i32
    %mul3A_15 = arith.constant 24000 : i32
    %mul3A_16 = arith.muli %arg1, %mul3A_15 : i32
    %dma_start3A_17 = tpu.memref_slice %arg14[%mul3A_16] : memref<384000xf32, #tpu.memory_space<vmem_shared>> -> memref<24000xf32, #tpu.memory_space<vmem_shared>>
    %dma_start3A_18 = tpu.memref_slice %arg14[%mul3A_16] : memref<384000xf32, #tpu.memory_space<vmem_shared>> -> memref<24000xf32, #tpu.memory_space<vmem_shared>>
    tpu.enqueue_dma source(%arg13 : memref<24000xf32, #tpu.memory_space<vmem>>) target(%dma_start3A_18 : memref<24000xf32, #tpu.memory_space<vmem_shared>>) target_semaphore(%arg16 : memref<!tpu.dma_semaphore, #tpu.memory_space<semaphore_mem>>)
    %dma_wait3A = tpu.memref_slice %arg2[%mul3A_2] : memref<16384xf32, #tpu.memory_space<hbm>> -> memref<512xf32, #tpu.memory_space<hbm>>
    %dma_wait3A_19 = tpu.memref_slice %arg2[%mul3A_2] : memref<16384xf32, #tpu.memory_space<hbm>> -> memref<512xf32, #tpu.memory_space<hbm>>
    tpu.wait_dma2 semaphore(%arg15 : memref<!tpu.dma_semaphore, #tpu.memory_space<semaphore_mem>>) src(%dma_wait3A_19 : memref<512xf32, #tpu.memory_space<hbm>>) dst(%arg8 : memref<512xf32, #tpu.memory_space<vmem>>)
    %dma_wait3A_20 = tpu.memref_slice %arg3[%mul3A_2] : memref<16384xf32, #tpu.memory_space<hbm>> -> memref<512xf32, #tpu.memory_space<hbm>>
    %dma_wait3A_21 = tpu.memref_slice %arg3[%mul3A_2] : memref<16384xf32, #tpu.memory_space<hbm>> -> memref<512xf32, #tpu.memory_space<hbm>>
    tpu.wait_dma2 semaphore(%arg15 : memref<!tpu.dma_semaphore, #tpu.memory_space<semaphore_mem>>) src(%dma_wait3A_21 : memref<512xf32, #tpu.memory_space<hbm>>) dst(%arg9 : memref<512xf32, #tpu.memory_space<vmem>>)
    %dma_wait3A_22 = tpu.memref_slice %arg4[%mul3A_2] : memref<16384xf32, #tpu.memory_space<hbm>> -> memref<512xf32, #tpu.memory_space<hbm>>
    %dma_wait3A_23 = tpu.memref_slice %arg4[%mul3A_2] : memref<16384xf32, #tpu.memory_space<hbm>> -> memref<512xf32, #tpu.memory_space<hbm>>
    tpu.wait_dma2 semaphore(%arg15 : memref<!tpu.dma_semaphore, #tpu.memory_space<semaphore_mem>>) src(%dma_wait3A_23 : memref<512xf32, #tpu.memory_space<hbm>>) dst(%arg10 : memref<512xf32, #tpu.memory_space<vmem>>)
    %dma_wait3A_24 = tpu.memref_slice %arg5[%mul3A_2] : memref<16384xf32, #tpu.memory_space<hbm>> -> memref<512xf32, #tpu.memory_space<hbm>>
    %dma_wait3A_25 = tpu.memref_slice %arg5[%mul3A_2] : memref<16384xf32, #tpu.memory_space<hbm>> -> memref<512xf32, #tpu.memory_space<hbm>>
    tpu.wait_dma2 semaphore(%arg15 : memref<!tpu.dma_semaphore, #tpu.memory_space<semaphore_mem>>) src(%dma_wait3A_25 : memref<512xf32, #tpu.memory_space<hbm>>) dst(%arg11 : memref<512xf32, #tpu.memory_space<vmem>>)
    tpu.wait_dma2 semaphore(%arg15 : memref<!tpu.dma_semaphore, #tpu.memory_space<semaphore_mem>>) src(%arg6 : memref<128xf32, #tpu.memory_space<hbm>>) dst(%arg12 : memref<128xf32, #tpu.memory_space<vmem>>)
    %scan3A_26 = arith.constant 0 : i32
    %scan3A_27 = arith.constant 0 : i32
    %scan3A_28 = arith.constant 8 : i32
    %scan3A_29 = arith.addi %scan3A_27, %scan3A_28 : i32
    %scan3A_30 = arith.constant 1 : i32
    scf.for %scan3A_60 = %scan3A_27 to %scan3A_29 step %scan3A_30  : i32 {
      %mul3A_61 = arith.constant 16 : i32
      %mul3A_62 = arith.muli %scan3A_60, %mul3A_61 : i32
      %add3A_63 = arith.constant 0 : i32
      %add3A_64 = arith.addi %add3A_63, %mul3A_62 : i32
      %get3A = arith.index_cast %add3A_64 : i32 to index
      %get3A_65 = tpu.vector_load %arg8[%get3A] {strides = array<i32>} : memref<512xf32, #tpu.memory_space<vmem>>, vector<16xf32>,
      %get3A_66 = vector.shape_cast %get3A_65 : vector<16xf32> to vector<16xf32>
      %sub3A = arith.constant 0.000000e+00 : f32
      %sub3A_67 = vector.broadcast %sub3A : f32 to vector<16xf32>
      %sub3A_68 = arith.subf %get3A_66, %sub3A_67 : vector<16xf32>
      %div3A = arith.constant 1.000000e+03 : f32
      %div3A_69 = vector.broadcast %div3A : f32 to vector<16xf32>
      %div3A_70 = arith.divf %sub3A_68, %div3A_69 : vector<16xf32>
      %mul3A_71 = arith.constant 9.990000e+02 : f32
      %mul3A_72 = vector.broadcast %mul3A_71 : f32 to vector<16xf32>
      %mul3A_73 = arith.mulf %div3A_70, %mul3A_72 : vector<16xf32>
      %add3A_74 = arith.constant 0x4B400000 : f32
      %add3A_75 = vector.broadcast %add3A_74 : f32 to vector<16xf32>
      %add3A_76 = arith.addf %mul3A_73, %add3A_75 : vector<16xf32>
      %sub3A_77 = arith.constant 0x4B400000 : f32
      %sub3A_78 = vector.broadcast %sub3A_77 : f32 to vector<16xf32>
      %sub3A_79 = arith.subf %add3A_76, %sub3A_78 : vector<16xf32>
      %max3A = arith.constant 0.000000e+00 : f32
      %max3A_80 = vector.broadcast %max3A : f32 to vector<16xf32>
      %max3A_81 = arith.maximumf %sub3A_79, %max3A_80 : vector<16xf32>
      %min3A = arith.constant 9.990000e+02 : f32
      %min3A_82 = vector.broadcast %min3A : f32 to vector<16xf32>
      %min3A_83 = arith.minimumf %max3A_81, %min3A_82 : vector<16xf32>
      %convert_element_type3A = arith.fptosi %min3A_83 : vector<16xf32> to vector<16xi32>
      %get3A_84 = arith.index_cast %add3A_64 : i32 to index
      %get3A_85 = tpu.vector_load %arg9[%get3A_84] {strides = array<i32>} : memref<512xf32, #tpu.memory_space<vmem>>, vector<16xf32>,
      %get3A_86 = vector.shape_cast %get3A_85 : vector<16xf32> to vector<16xf32>
      %sub3A_87 = arith.constant -5.000000e+00 : f32
      %sub3A_88 = vector.broadcast %sub3A_87 : f32 to vector<16xf32>
      %sub3A_89 = arith.subf %get3A_86, %sub3A_88 : vector<16xf32>
      %div3A_90 = arith.constant 1.000000e+01 : f32
      %div3A_91 = vector.broadcast %div3A_90 : f32 to vector<16xf32>
      %div3A_92 = arith.divf %sub3A_89, %div3A_91 : vector<16xf32>
      %mul3A_93 = arith.constant 9.900000e+01 : f32
      %mul3A_94 = vector.broadcast %mul3A_93 : f32 to vector<16xf32>
      %mul3A_95 = arith.mulf %div3A_92, %mul3A_94 : vector<16xf32>
      %add3A_96 = arith.constant 0x4B400000 : f32
      %add3A_97 = vector.broadcast %add3A_96 : f32 to vector<16xf32>
      %add3A_98 = arith.addf %mul3A_95, %add3A_97 : vector<16xf32>
      %sub3A_99 = arith.constant 0x4B400000 : f32
      %sub3A_100 = vector.broadcast %sub3A_99 : f32 to vector<16xf32>
      %sub3A_101 = arith.subf %add3A_98, %sub3A_100 : vector<16xf32>
      %max3A_102 = arith.constant 0.000000e+00 : f32
      %max3A_103 = vector.broadcast %max3A_102 : f32 to vector<16xf32>
      %max3A_104 = arith.maximumf %sub3A_101, %max3A_103 : vector<16xf32>
      %min3A_105 = arith.constant 9.900000e+01 : f32
      %min3A_106 = vector.broadcast %min3A_105 : f32 to vector<16xf32>
      %min3A_107 = arith.minimumf %max3A_104, %min3A_106 : vector<16xf32>
      %convert_element_type3A_108 = arith.fptosi %min3A_107 : vector<16xf32> to vector<16xi32>
      %get3A_109 = arith.index_cast %add3A_64 : i32 to index
      %get3A_110 = tpu.vector_load %arg10[%get3A_109] {strides = array<i32>} : memref<512xf32, #tpu.memory_space<vmem>>, vector<16xf32>,
      %get3A_111 = vector.shape_cast %get3A_110 : vector<16xf32> to vector<16xf32>
      %sub3A_112 = arith.constant -5.000000e+00 : f32
      %sub3A_113 = vector.broadcast %sub3A_112 : f32 to vector<16xf32>
      %sub3A_114 = arith.subf %get3A_111, %sub3A_113 : vector<16xf32>
      %div3A_115 = arith.constant 1.000000e+01 : f32
      %div3A_116 = vector.broadcast %div3A_115 : f32 to vector<16xf32>
      %div3A_117 = arith.divf %sub3A_114, %div3A_116 : vector<16xf32>
      %mul3A_118 = arith.constant 9.900000e+01 : f32
      %mul3A_119 = vector.broadcast %mul3A_118 : f32 to vector<16xf32>
      %mul3A_120 = arith.mulf %div3A_117, %mul3A_119 : vector<16xf32>
      %add3A_121 = arith.constant 0x4B400000 : f32
      %add3A_122 = vector.broadcast %add3A_121 : f32 to vector<16xf32>
      %add3A_123 = arith.addf %mul3A_120, %add3A_122 : vector<16xf32>
      %sub3A_124 = arith.constant 0x4B400000 : f32
      %sub3A_125 = vector.broadcast %sub3A_124 : f32 to vector<16xf32>
      %sub3A_126 = arith.subf %add3A_123, %sub3A_125 : vector<16xf32>
      %max3A_127 = arith.constant 0.000000e+00 : f32
      %max3A_128 = vector.broadcast %max3A_127 : f32 to vector<16xf32>
      %max3A_129 = arith.maximumf %sub3A_126, %max3A_128 : vector<16xf32>
      %min3A_130 = arith.constant 9.900000e+01 : f32
      %min3A_131 = vector.broadcast %min3A_130 : f32 to vector<16xf32>
      %min3A_132 = arith.minimumf %max3A_129, %min3A_131 : vector<16xf32>
      %convert_element_type3A_133 = arith.fptosi %min3A_132 : vector<16xf32> to vector<16xi32>
      %get3A_134 = arith.index_cast %add3A_64 : i32 to index
      %get3A_135 = tpu.vector_load %arg11[%get3A_134] {strides = array<i32>} : memref<512xf32, #tpu.memory_space<vmem>>, vector<16xf32>,
      %get3A_136 = vector.shape_cast %get3A_135 : vector<16xf32> to vector<16xf32>
      %sub3A_137 = arith.constant -5.000000e+00 : f32
      %sub3A_138 = vector.broadcast %sub3A_137 : f32 to vector<16xf32>
      %sub3A_139 = arith.subf %get3A_136, %sub3A_138 : vector<16xf32>
      %div3A_140 = arith.constant 1.000000e+01 : f32
      %div3A_141 = vector.broadcast %div3A_140 : f32 to vector<16xf32>
      %div3A_142 = arith.divf %sub3A_139, %div3A_141 : vector<16xf32>
      %mul3A_143 = arith.constant 9.900000e+01 : f32
      %mul3A_144 = vector.broadcast %mul3A_143 : f32 to vector<16xf32>
      %mul3A_145 = arith.mulf %div3A_142, %mul3A_144 : vector<16xf32>
      %add3A_146 = arith.constant 0x4B400000 : f32
      %add3A_147 = vector.broadcast %add3A_146 : f32 to vector<16xf32>
      %add3A_148 = arith.addf %mul3A_145, %add3A_147 : vector<16xf32>
      %sub3A_149 = arith.constant 0x4B400000 : f32
      %sub3A_150 = vector.broadcast %sub3A_149 : f32 to vector<16xf32>
      %sub3A_151 = arith.subf %add3A_148, %sub3A_150 : vector<16xf32>
      %max3A_152 = arith.constant 0.000000e+00 : f32
      %max3A_153 = vector.broadcast %max3A_152 : f32 to vector<16xf32>
      %max3A_154 = arith.maximumf %sub3A_151, %max3A_153 : vector<16xf32>
      %min3A_155 = arith.constant 9.900000e+01 : f32
      %min3A_156 = vector.broadcast %min3A_155 : f32 to vector<16xf32>
      %min3A_157 = arith.minimumf %max3A_154, %min3A_156 : vector<16xf32>
      %convert_element_type3A_158 = arith.fptosi %min3A_157 : vector<16xf32> to vector<16xi32>
      %mul3A_159 = arith.constant 1000 : i32
      %mul3A_160 = vector.broadcast %mul3A_159 : i32 to vector<16xi32>
      %mul3A_161 = arith.muli %convert_element_type3A_108, %mul3A_160 : vector<16xi32>
      %add3A_162 = arith.addi %mul3A_161, %convert_element_type3A : vector<16xi32>
      %mul3A_163 = arith.constant 16 : i32
      %mul3A_164 = arith.muli %scan3A_60, %mul3A_163 : i32
      %swap3A = arith.index_cast %mul3A_164 : i32 to index
      %swap3A_165 = tpu.vector_load %arg17[%swap3A] {strides = array<i32>} : memref<128xi32, #tpu.memory_space<vmem>>, vector<16xi32>,
      %swap3A_166 = vector.shape_cast %swap3A_165 : vector<16xi32> to vector<16xi32>
      %swap3A_167 = vector.shape_cast %add3A_162 : vector<16xi32> to vector<16xi32>
      tpu.vector_store %arg17[%swap3A], %swap3A_167 {strides = array<i32>} : memref<128xi32, #tpu.memory_space<vmem>>, vector<16xi32>,
      %mul3A_168 = arith.constant 1000 : i32
      %mul3A_169 = vector.broadcast %mul3A_168 : i32 to vector<16xi32>
      %mul3A_170 = arith.muli %convert_element_type3A_133, %mul3A_169 : vector<16xi32>
      %add3A_171 = arith.addi %mul3A_170, %convert_element_type3A : vector<16xi32>
      %add3A_172 = arith.constant 128000 : i32
      %add3A_173 = vector.broadcast %add3A_172 : i32 to vector<16xi32>
      %add3A_174 = arith.addi %add3A_171, %add3A_173 : vector<16xi32>
      %mul3A_175 = arith.constant 16 : i32
      %mul3A_176 = arith.muli %scan3A_60, %mul3A_175 : i32
      %swap3A_177 = arith.index_cast %mul3A_176 : i32 to index
      %swap3A_178 = tpu.vector_load %arg18[%swap3A_177] {strides = array<i32>} : memref<128xi32, #tpu.memory_space<vmem>>, vector<16xi32>,
      %swap3A_179 = vector.shape_cast %swap3A_178 : vector<16xi32> to vector<16xi32>
      %swap3A_180 = vector.shape_cast %add3A_174 : vector<16xi32> to vector<16xi32>
      tpu.vector_store %arg18[%swap3A_177], %swap3A_180 {strides = array<i32>} : memref<128xi32, #tpu.memory_space<vmem>>, vector<16xi32>,
      %mul3A_181 = arith.constant 1000 : i32
      %mul3A_182 = vector.broadcast %mul3A_181 : i32 to vector<16xi32>
      %mul3A_183 = arith.muli %convert_element_type3A_158, %mul3A_182 : vector<16xi32>
      %add3A_184 = arith.addi %mul3A_183, %convert_element_type3A : vector<16xi32>
      %add3A_185 = arith.constant 256000 : i32
      %add3A_186 = vector.broadcast %add3A_185 : i32 to vector<16xi32>
      %add3A_187 = arith.addi %add3A_184, %add3A_186 : vector<16xi32>
      %mul3A_188 = arith.constant 16 : i32
      %mul3A_189 = arith.muli %scan3A_60, %mul3A_188 : i32
      %swap3A_190 = arith.index_cast %mul3A_189 : i32 to index
      %swap3A_191 = tpu.vector_load %arg19[%swap3A_190] {strides = array<i32>} : memref<128xi32, #tpu.memory_space<vmem>>, vector<16xi32>,
      %swap3A_192 = vector.shape_cast %swap3A_191 : vector<16xi32> to vector<16xi32>
      %swap3A_193 = vector.shape_cast %add3A_187 : vector<16xi32> to vector<16xi32>
      tpu.vector_store %arg19[%swap3A_190], %swap3A_193 {strides = array<i32>} : memref<128xi32, #tpu.memory_space<vmem>>, vector<16xi32>,
    }
    %scan3A_31 = arith.constant 8 : i32
    %scan3A_32 = arith.constant 0 : i32
    %scan3A_33 = arith.constant 0 : i32
    %scan3A_34 = arith.constant 8 : i32
    %scan3A_35 = arith.addi %scan3A_33, %scan3A_34 : i32
    %scan3A_36 = arith.constant 1 : i32
    scf.for %scan3A_60 = %scan3A_33 to %scan3A_35 step %scan3A_36  : i32 {
      %mul3A_61 = arith.constant 16 : i32
      %mul3A_62 = arith.muli %scan3A_60, %mul3A_61 : i32
      %add3A_63 = arith.constant 128 : i32
      %add3A_64 = arith.addi %add3A_63, %mul3A_62 : i32
      %get3A = arith.index_cast %add3A_64 : i32 to index
      %get3A_65 = tpu.vector_load %arg8[%get3A] {strides = array<i32>} : memref<512xf32, #tpu.memory_space<vmem>>, vector<16xf32>,
      %get3A_66 = vector.shape_cast %get3A_65 : vector<16xf32> to vector<16xf32>
      %sub3A = arith.constant 0.000000e+00 : f32
      %sub3A_67 = vector.broadcast %sub3A : f32 to vector<16xf32>
      %sub3A_68 = arith.subf %get3A_66, %sub3A_67 : vector<16xf32>
      %div3A = arith.constant 1.000000e+03 : f32
      %div3A_69 = vector.broadcast %div3A : f32 to vector<16xf32>
      %div3A_70 = arith.divf %sub3A_68, %div3A_69 : vector<16xf32>
      %mul3A_71 = arith.constant 9.990000e+02 : f32
      %mul3A_72 = vector.broadcast %mul3A_71 : f32 to vector<16xf32>
      %mul3A_73 = arith.mulf %div3A_70, %mul3A_72 : vector<16xf32>
      %add3A_74 = arith.constant 0x4B400000 : f32
      %add3A_75 = vector.broadcast %add3A_74 : f32 to vector<16xf32>
      %add3A_76 = arith.addf %mul3A_73, %add3A_75 : vector<16xf32>
      %sub3A_77 = arith.constant 0x4B400000 : f32
      %sub3A_78 = vector.broadcast %sub3A_77 : f32 to vector<16xf32>
      %sub3A_79 = arith.subf %add3A_76, %sub3A_78 : vector<16xf32>
      %max3A = arith.constant 0.000000e+00 : f32
      %max3A_80 = vector.broadcast %max3A : f32 to vector<16xf32>
      %max3A_81 = arith.maximumf %sub3A_79, %max3A_80 : vector<16xf32>
      %min3A = arith.constant 9.990000e+02 : f32
      %min3A_82 = vector.broadcast %min3A : f32 to vector<16xf32>
      %min3A_83 = arith.minimumf %max3A_81, %min3A_82 : vector<16xf32>
      %convert_element_type3A = arith.fptosi %min3A_83 : vector<16xf32> to vector<16xi32>
      %get3A_84 = arith.index_cast %add3A_64 : i32 to index
      %get3A_85 = tpu.vector_load %arg9[%get3A_84] {strides = array<i32>} : memref<512xf32, #tpu.memory_space<vmem>>, vector<16xf32>,
      %get3A_86 = vector.shape_cast %get3A_85 : vector<16xf32> to vector<16xf32>
      %sub3A_87 = arith.constant -5.000000e+00 : f32
      %sub3A_88 = vector.broadcast %sub3A_87 : f32 to vector<16xf32>
      %sub3A_89 = arith.subf %get3A_86, %sub3A_88 : vector<16xf32>
      %div3A_90 = arith.constant 1.000000e+01 : f32
      %div3A_91 = vector.broadcast %div3A_90 : f32 to vector<16xf32>
      %div3A_92 = arith.divf %sub3A_89, %div3A_91 : vector<16xf32>
      %mul3A_93 = arith.constant 9.900000e+01 : f32
      %mul3A_94 = vector.broadcast %mul3A_93 : f32 to vector<16xf32>
      %mul3A_95 = arith.mulf %div3A_92, %mul3A_94 : vector<16xf32>
      %add3A_96 = arith.constant 0x4B400000 : f32
      %add3A_97 = vector.broadcast %add3A_96 : f32 to vector<16xf32>
      %add3A_98 = arith.addf %mul3A_95, %add3A_97 : vector<16xf32>
      %sub3A_99 = arith.constant 0x4B400000 : f32
      %sub3A_100 = vector.broadcast %sub3A_99 : f32 to vector<16xf32>
      %sub3A_101 = arith.subf %add3A_98, %sub3A_100 : vector<16xf32>
      %max3A_102 = arith.constant 0.000000e+00 : f32
      %max3A_103 = vector.broadcast %max3A_102 : f32 to vector<16xf32>
      %max3A_104 = arith.maximumf %sub3A_101, %max3A_103 : vector<16xf32>
      %min3A_105 = arith.constant 9.900000e+01 : f32
      %min3A_106 = vector.broadcast %min3A_105 : f32 to vector<16xf32>
      %min3A_107 = arith.minimumf %max3A_104, %min3A_106 : vector<16xf32>
      %convert_element_type3A_108 = arith.fptosi %min3A_107 : vector<16xf32> to vector<16xi32>
      %get3A_109 = arith.index_cast %add3A_64 : i32 to index
      %get3A_110 = tpu.vector_load %arg10[%get3A_109] {strides = array<i32>} : memref<512xf32, #tpu.memory_space<vmem>>, vector<16xf32>,
      %get3A_111 = vector.shape_cast %get3A_110 : vector<16xf32> to vector<16xf32>
      %sub3A_112 = arith.constant -5.000000e+00 : f32
      %sub3A_113 = vector.broadcast %sub3A_112 : f32 to vector<16xf32>
      %sub3A_114 = arith.subf %get3A_111, %sub3A_113 : vector<16xf32>
      %div3A_115 = arith.constant 1.000000e+01 : f32
      %div3A_116 = vector.broadcast %div3A_115 : f32 to vector<16xf32>
      %div3A_117 = arith.divf %sub3A_114, %div3A_116 : vector<16xf32>
      %mul3A_118 = arith.constant 9.900000e+01 : f32
      %mul3A_119 = vector.broadcast %mul3A_118 : f32 to vector<16xf32>
      %mul3A_120 = arith.mulf %div3A_117, %mul3A_119 : vector<16xf32>
      %add3A_121 = arith.constant 0x4B400000 : f32
      %add3A_122 = vector.broadcast %add3A_121 : f32 to vector<16xf32>
      %add3A_123 = arith.addf %mul3A_120, %add3A_122 : vector<16xf32>
      %sub3A_124 = arith.constant 0x4B400000 : f32
      %sub3A_125 = vector.broadcast %sub3A_124 : f32 to vector<16xf32>
      %sub3A_126 = arith.subf %add3A_123, %sub3A_125 : vector<16xf32>
      %max3A_127 = arith.constant 0.000000e+00 : f32
      %max3A_128 = vector.broadcast %max3A_127 : f32 to vector<16xf32>
      %max3A_129 = arith.maximumf %sub3A_126, %max3A_128 : vector<16xf32>
      %min3A_130 = arith.constant 9.900000e+01 : f32
      %min3A_131 = vector.broadcast %min3A_130 : f32 to vector<16xf32>
      %min3A_132 = arith.minimumf %max3A_129, %min3A_131 : vector<16xf32>
      %convert_element_type3A_133 = arith.fptosi %min3A_132 : vector<16xf32> to vector<16xi32>
      %get3A_134 = arith.index_cast %add3A_64 : i32 to index
      %get3A_135 = tpu.vector_load %arg11[%get3A_134] {strides = array<i32>} : memref<512xf32, #tpu.memory_space<vmem>>, vector<16xf32>,
      %get3A_136 = vector.shape_cast %get3A_135 : vector<16xf32> to vector<16xf32>
      %sub3A_137 = arith.constant -5.000000e+00 : f32
      %sub3A_138 = vector.broadcast %sub3A_137 : f32 to vector<16xf32>
      %sub3A_139 = arith.subf %get3A_136, %sub3A_138 : vector<16xf32>
      %div3A_140 = arith.constant 1.000000e+01 : f32
      %div3A_141 = vector.broadcast %div3A_140 : f32 to vector<16xf32>
      %div3A_142 = arith.divf %sub3A_139, %div3A_141 : vector<16xf32>
      %mul3A_143 = arith.constant 9.900000e+01 : f32
      %mul3A_144 = vector.broadcast %mul3A_143 : f32 to vector<16xf32>
      %mul3A_145 = arith.mulf %div3A_142, %mul3A_144 : vector<16xf32>
      %add3A_146 = arith.constant 0x4B400000 : f32
      %add3A_147 = vector.broadcast %add3A_146 : f32 to vector<16xf32>
      %add3A_148 = arith.addf %mul3A_145, %add3A_147 : vector<16xf32>
      %sub3A_149 = arith.constant 0x4B400000 : f32
      %sub3A_150 = vector.broadcast %sub3A_149 : f32 to vector<16xf32>
      %sub3A_151 = arith.subf %add3A_148, %sub3A_150 : vector<16xf32>
      %max3A_152 = arith.constant 0.000000e+00 : f32
      %max3A_153 = vector.broadcast %max3A_152 : f32 to vector<16xf32>
      %max3A_154 = arith.maximumf %sub3A_151, %max3A_153 : vector<16xf32>
      %min3A_155 = arith.constant 9.900000e+01 : f32
      %min3A_156 = vector.broadcast %min3A_155 : f32 to vector<16xf32>
      %min3A_157 = arith.minimumf %max3A_154, %min3A_156 : vector<16xf32>
      %convert_element_type3A_158 = arith.fptosi %min3A_157 : vector<16xf32> to vector<16xi32>
      %mul3A_159 = arith.constant 1000 : i32
      %mul3A_160 = vector.broadcast %mul3A_159 : i32 to vector<16xi32>
      %mul3A_161 = arith.muli %convert_element_type3A_108, %mul3A_160 : vector<16xi32>
      %add3A_162 = arith.addi %mul3A_161, %convert_element_type3A : vector<16xi32>
      %mul3A_163 = arith.constant 16 : i32
      %mul3A_164 = arith.muli %scan3A_60, %mul3A_163 : i32
      %swap3A = arith.index_cast %mul3A_164 : i32 to index
      %swap3A_165 = tpu.vector_load %arg20[%swap3A] {strides = array<i32>} : memref<128xi32, #tpu.memory_space<vmem>>, vector<16xi32>,
      %swap3A_166 = vector.shape_cast %swap3A_165 : vector<16xi32> to vector<16xi32>
      %swap3A_167 = vector.shape_cast %add3A_162 : vector<16xi32> to vector<16xi32>
      tpu.vector_store %arg20[%swap3A], %swap3A_167 {strides = array<i32>} : memref<128xi32, #tpu.memory_space<vmem>>, vector<16xi32>,
      %mul3A_168 = arith.constant 1000 : i32
      %mul3A_169 = vector.broadcast %mul3A_168 : i32 to vector<16xi32>
      %mul3A_170 = arith.muli %convert_element_type3A_133, %mul3A_169 : vector<16xi32>
      %add3A_171 = arith.addi %mul3A_170, %convert_element_type3A : vector<16xi32>
      %add3A_172 = arith.constant 128000 : i32
      %add3A_173 = vector.broadcast %add3A_172 : i32 to vector<16xi32>
      %add3A_174 = arith.addi %add3A_171, %add3A_173 : vector<16xi32>
      %mul3A_175 = arith.constant 16 : i32
      %mul3A_176 = arith.muli %scan3A_60, %mul3A_175 : i32
      %swap3A_177 = arith.index_cast %mul3A_176 : i32 to index
      %swap3A_178 = tpu.vector_load %arg21[%swap3A_177] {strides = array<i32>} : memref<128xi32, #tpu.memory_space<vmem>>, vector<16xi32>,
      %swap3A_179 = vector.shape_cast %swap3A_178 : vector<16xi32> to vector<16xi32>
      %swap3A_180 = vector.shape_cast %add3A_174 : vector<16xi32> to vector<16xi32>
      tpu.vector_store %arg21[%swap3A_177], %swap3A_180 {strides = array<i32>} : memref<128xi32, #tpu.memory_space<vmem>>, vector<16xi32>,
      %mul3A_181 = arith.constant 1000 : i32
      %mul3A_182 = vector.broadcast %mul3A_181 : i32 to vector<16xi32>
      %mul3A_183 = arith.muli %convert_element_type3A_158, %mul3A_182 : vector<16xi32>
      %add3A_184 = arith.addi %mul3A_183, %convert_element_type3A : vector<16xi32>
      %add3A_185 = arith.constant 256000 : i32
      %add3A_186 = vector.broadcast %add3A_185 : i32 to vector<16xi32>
      %add3A_187 = arith.addi %add3A_184, %add3A_186 : vector<16xi32>
      %mul3A_188 = arith.constant 16 : i32
      %mul3A_189 = arith.muli %scan3A_60, %mul3A_188 : i32
      %swap3A_190 = arith.index_cast %mul3A_189 : i32 to index
      %swap3A_191 = tpu.vector_load %arg22[%swap3A_190] {strides = array<i32>} : memref<128xi32, #tpu.memory_space<vmem>>, vector<16xi32>,
      %swap3A_192 = vector.shape_cast %swap3A_191 : vector<16xi32> to vector<16xi32>
      %swap3A_193 = vector.shape_cast %add3A_187 : vector<16xi32> to vector<16xi32>
      tpu.vector_store %arg22[%swap3A_190], %swap3A_193 {strides = array<i32>} : memref<128xi32, #tpu.memory_space<vmem>>, vector<16xi32>,
    }
    %scan3A_37 = arith.constant 8 : i32
    %scan3A_38 = arith.constant 0 : i32
    %scan3A_39 = arith.constant 0 : i32
    %scan3A_40 = arith.constant 8 : i32
    %scan3A_41 = arith.addi %scan3A_39, %scan3A_40 : i32
    %scan3A_42 = arith.constant 1 : i32
    scf.for %scan3A_60 = %scan3A_39 to %scan3A_41 step %scan3A_42  : i32 {
      %mul3A_61 = arith.constant 16 : i32
      %mul3A_62 = arith.muli %scan3A_60, %mul3A_61 : i32
      %add3A_63 = arith.constant 256 : i32
      %add3A_64 = arith.addi %add3A_63, %mul3A_62 : i32
      %get3A = arith.index_cast %add3A_64 : i32 to index
      %get3A_65 = tpu.vector_load %arg8[%get3A] {strides = array<i32>} : memref<512xf32, #tpu.memory_space<vmem>>, vector<16xf32>,
      %get3A_66 = vector.shape_cast %get3A_65 : vector<16xf32> to vector<16xf32>
      %sub3A = arith.constant 0.000000e+00 : f32
      %sub3A_67 = vector.broadcast %sub3A : f32 to vector<16xf32>
      %sub3A_68 = arith.subf %get3A_66, %sub3A_67 : vector<16xf32>
      %div3A = arith.constant 1.000000e+03 : f32
      %div3A_69 = vector.broadcast %div3A : f32 to vector<16xf32>
      %div3A_70 = arith.divf %sub3A_68, %div3A_69 : vector<16xf32>
      %mul3A_71 = arith.constant 9.990000e+02 : f32
      %mul3A_72 = vector.broadcast %mul3A_71 : f32 to vector<16xf32>
      %mul3A_73 = arith.mulf %div3A_70, %mul3A_72 : vector<16xf32>
      %add3A_74 = arith.constant 0x4B400000 : f32
      %add3A_75 = vector.broadcast %add3A_74 : f32 to vector<16xf32>
      %add3A_76 = arith.addf %mul3A_73, %add3A_75 : vector<16xf32>
      %sub3A_77 = arith.constant 0x4B400000 : f32
      %sub3A_78 = vector.broadcast %sub3A_77 : f32 to vector<16xf32>
      %sub3A_79 = arith.subf %add3A_76, %sub3A_78 : vector<16xf32>
      %max3A = arith.constant 0.000000e+00 : f32
      %max3A_80 = vector.broadcast %max3A : f32 to vector<16xf32>
      %max3A_81 = arith.maximumf %sub3A_79, %max3A_80 : vector<16xf32>
      %min3A = arith.constant 9.990000e+02 : f32
      %min3A_82 = vector.broadcast %min3A : f32 to vector<16xf32>
      %min3A_83 = arith.minimumf %max3A_81, %min3A_82 : vector<16xf32>
      %convert_element_type3A = arith.fptosi %min3A_83 : vector<16xf32> to vector<16xi32>
      %get3A_84 = arith.index_cast %add3A_64 : i32 to index
      %get3A_85 = tpu.vector_load %arg9[%get3A_84] {strides = array<i32>} : memref<512xf32, #tpu.memory_space<vmem>>, vector<16xf32>,
      %get3A_86 = vector.shape_cast %get3A_85 : vector<16xf32> to vector<16xf32>
      %sub3A_87 = arith.constant -5.000000e+00 : f32
      %sub3A_88 = vector.broadcast %sub3A_87 : f32 to vector<16xf32>
      %sub3A_89 = arith.subf %get3A_86, %sub3A_88 : vector<16xf32>
      %div3A_90 = arith.constant 1.000000e+01 : f32
      %div3A_91 = vector.broadcast %div3A_90 : f32 to vector<16xf32>
      %div3A_92 = arith.divf %sub3A_89, %div3A_91 : vector<16xf32>
      %mul3A_93 = arith.constant 9.900000e+01 : f32
      %mul3A_94 = vector.broadcast %mul3A_93 : f32 to vector<16xf32>
      %mul3A_95 = arith.mulf %div3A_92, %mul3A_94 : vector<16xf32>
      %add3A_96 = arith.constant 0x4B400000 : f32
      %add3A_97 = vector.broadcast %add3A_96 : f32 to vector<16xf32>
      %add3A_98 = arith.addf %mul3A_95, %add3A_97 : vector<16xf32>
      %sub3A_99 = arith.constant 0x4B400000 : f32
      %sub3A_100 = vector.broadcast %sub3A_99 : f32 to vector<16xf32>
      %sub3A_101 = arith.subf %add3A_98, %sub3A_100 : vector<16xf32>
      %max3A_102 = arith.constant 0.000000e+00 : f32
      %max3A_103 = vector.broadcast %max3A_102 : f32 to vector<16xf32>
      %max3A_104 = arith.maximumf %sub3A_101, %max3A_103 : vector<16xf32>
      %min3A_105 = arith.constant 9.900000e+01 : f32
      %min3A_106 = vector.broadcast %min3A_105 : f32 to vector<16xf32>
      %min3A_107 = arith.minimumf %max3A_104, %min3A_106 : vector<16xf32>
      %convert_element_type3A_108 = arith.fptosi %min3A_107 : vector<16xf32> to vector<16xi32>
      %get3A_109 = arith.index_cast %add3A_64 : i32 to index
      %get3A_110 = tpu.vector_load %arg10[%get3A_109] {strides = array<i32>} : memref<512xf32, #tpu.memory_space<vmem>>, vector<16xf32>,
      %get3A_111 = vector.shape_cast %get3A_110 : vector<16xf32> to vector<16xf32>
      %sub3A_112 = arith.constant -5.000000e+00 : f32
      %sub3A_113 = vector.broadcast %sub3A_112 : f32 to vector<16xf32>
      %sub3A_114 = arith.subf %get3A_111, %sub3A_113 : vector<16xf32>
      %div3A_115 = arith.constant 1.000000e+01 : f32
      %div3A_116 = vector.broadcast %div3A_115 : f32 to vector<16xf32>
      %div3A_117 = arith.divf %sub3A_114, %div3A_116 : vector<16xf32>
      %mul3A_118 = arith.constant 9.900000e+01 : f32
      %mul3A_119 = vector.broadcast %mul3A_118 : f32 to vector<16xf32>
      %mul3A_120 = arith.mulf %div3A_117, %mul3A_119 : vector<16xf32>
      %add3A_121 = arith.constant 0x4B400000 : f32
      %add3A_122 = vector.broadcast %add3A_121 : f32 to vector<16xf32>
      %add3A_123 = arith.addf %mul3A_120, %add3A_122 : vector<16xf32>
      %sub3A_124 = arith.constant 0x4B400000 : f32
      %sub3A_125 = vector.broadcast %sub3A_124 : f32 to vector<16xf32>
      %sub3A_126 = arith.subf %add3A_123, %sub3A_125 : vector<16xf32>
      %max3A_127 = arith.constant 0.000000e+00 : f32
      %max3A_128 = vector.broadcast %max3A_127 : f32 to vector<16xf32>
      %max3A_129 = arith.maximumf %sub3A_126, %max3A_128 : vector<16xf32>
      %min3A_130 = arith.constant 9.900000e+01 : f32
      %min3A_131 = vector.broadcast %min3A_130 : f32 to vector<16xf32>
      %min3A_132 = arith.minimumf %max3A_129, %min3A_131 : vector<16xf32>
      %convert_element_type3A_133 = arith.fptosi %min3A_132 : vector<16xf32> to vector<16xi32>
      %get3A_134 = arith.index_cast %add3A_64 : i32 to index
      %get3A_135 = tpu.vector_load %arg11[%get3A_134] {strides = array<i32>} : memref<512xf32, #tpu.memory_space<vmem>>, vector<16xf32>,
      %get3A_136 = vector.shape_cast %get3A_135 : vector<16xf32> to vector<16xf32>
      %sub3A_137 = arith.constant -5.000000e+00 : f32
      %sub3A_138 = vector.broadcast %sub3A_137 : f32 to vector<16xf32>
      %sub3A_139 = arith.subf %get3A_136, %sub3A_138 : vector<16xf32>
      %div3A_140 = arith.constant 1.000000e+01 : f32
      %div3A_141 = vector.broadcast %div3A_140 : f32 to vector<16xf32>
      %div3A_142 = arith.divf %sub3A_139, %div3A_141 : vector<16xf32>
      %mul3A_143 = arith.constant 9.900000e+01 : f32
      %mul3A_144 = vector.broadcast %mul3A_143 : f32 to vector<16xf32>
      %mul3A_145 = arith.mulf %div3A_142, %mul3A_144 : vector<16xf32>
      %add3A_146 = arith.constant 0x4B400000 : f32
      %add3A_147 = vector.broadcast %add3A_146 : f32 to vector<16xf32>
      %add3A_148 = arith.addf %mul3A_145, %add3A_147 : vector<16xf32>
      %sub3A_149 = arith.constant 0x4B400000 : f32
      %sub3A_150 = vector.broadcast %sub3A_149 : f32 to vector<16xf32>
      %sub3A_151 = arith.subf %add3A_148, %sub3A_150 : vector<16xf32>
      %max3A_152 = arith.constant 0.000000e+00 : f32
      %max3A_153 = vector.broadcast %max3A_152 : f32 to vector<16xf32>
      %max3A_154 = arith.maximumf %sub3A_151, %max3A_153 : vector<16xf32>
      %min3A_155 = arith.constant 9.900000e+01 : f32
      %min3A_156 = vector.broadcast %min3A_155 : f32 to vector<16xf32>
      %min3A_157 = arith.minimumf %max3A_154, %min3A_156 : vector<16xf32>
      %convert_element_type3A_158 = arith.fptosi %min3A_157 : vector<16xf32> to vector<16xi32>
      %mul3A_159 = arith.constant 1000 : i32
      %mul3A_160 = vector.broadcast %mul3A_159 : i32 to vector<16xi32>
      %mul3A_161 = arith.muli %convert_element_type3A_108, %mul3A_160 : vector<16xi32>
      %add3A_162 = arith.addi %mul3A_161, %convert_element_type3A : vector<16xi32>
      %mul3A_163 = arith.constant 16 : i32
      %mul3A_164 = arith.muli %scan3A_60, %mul3A_163 : i32
      %swap3A = arith.index_cast %mul3A_164 : i32 to index
      %swap3A_165 = tpu.vector_load %arg23[%swap3A] {strides = array<i32>} : memref<128xi32, #tpu.memory_space<vmem>>, vector<16xi32>,
      %swap3A_166 = vector.shape_cast %swap3A_165 : vector<16xi32> to vector<16xi32>
      %swap3A_167 = vector.shape_cast %add3A_162 : vector<16xi32> to vector<16xi32>
      tpu.vector_store %arg23[%swap3A], %swap3A_167 {strides = array<i32>} : memref<128xi32, #tpu.memory_space<vmem>>, vector<16xi32>,
      %mul3A_168 = arith.constant 1000 : i32
      %mul3A_169 = vector.broadcast %mul3A_168 : i32 to vector<16xi32>
      %mul3A_170 = arith.muli %convert_element_type3A_133, %mul3A_169 : vector<16xi32>
      %add3A_171 = arith.addi %mul3A_170, %convert_element_type3A : vector<16xi32>
      %add3A_172 = arith.constant 128000 : i32
      %add3A_173 = vector.broadcast %add3A_172 : i32 to vector<16xi32>
      %add3A_174 = arith.addi %add3A_171, %add3A_173 : vector<16xi32>
      %mul3A_175 = arith.constant 16 : i32
      %mul3A_176 = arith.muli %scan3A_60, %mul3A_175 : i32
      %swap3A_177 = arith.index_cast %mul3A_176 : i32 to index
      %swap3A_178 = tpu.vector_load %arg24[%swap3A_177] {strides = array<i32>} : memref<128xi32, #tpu.memory_space<vmem>>, vector<16xi32>,
      %swap3A_179 = vector.shape_cast %swap3A_178 : vector<16xi32> to vector<16xi32>
      %swap3A_180 = vector.shape_cast %add3A_174 : vector<16xi32> to vector<16xi32>
      tpu.vector_store %arg24[%swap3A_177], %swap3A_180 {strides = array<i32>} : memref<128xi32, #tpu.memory_space<vmem>>, vector<16xi32>,
      %mul3A_181 = arith.constant 1000 : i32
      %mul3A_182 = vector.broadcast %mul3A_181 : i32 to vector<16xi32>
      %mul3A_183 = arith.muli %convert_element_type3A_158, %mul3A_182 : vector<16xi32>
      %add3A_184 = arith.addi %mul3A_183, %convert_element_type3A : vector<16xi32>
      %add3A_185 = arith.constant 256000 : i32
      %add3A_186 = vector.broadcast %add3A_185 : i32 to vector<16xi32>
      %add3A_187 = arith.addi %add3A_184, %add3A_186 : vector<16xi32>
      %mul3A_188 = arith.constant 16 : i32
      %mul3A_189 = arith.muli %scan3A_60, %mul3A_188 : i32
      %swap3A_190 = arith.index_cast %mul3A_189 : i32 to index
      %swap3A_191 = tpu.vector_load %arg25[%swap3A_190] {strides = array<i32>} : memref<128xi32, #tpu.memory_space<vmem>>, vector<16xi32>,
      %swap3A_192 = vector.shape_cast %swap3A_191 : vector<16xi32> to vector<16xi32>
      %swap3A_193 = vector.shape_cast %add3A_187 : vector<16xi32> to vector<16xi32>
      tpu.vector_store %arg25[%swap3A_190], %swap3A_193 {strides = array<i32>} : memref<128xi32, #tpu.memory_space<vmem>>, vector<16xi32>,
    }
    %scan3A_43 = arith.constant 8 : i32
    %scan3A_44 = arith.constant 0 : i32
    %scan3A_45 = arith.constant 0 : i32
    %scan3A_46 = arith.constant 8 : i32
    %scan3A_47 = arith.addi %scan3A_45, %scan3A_46 : i32
    %scan3A_48 = arith.constant 1 : i32
    scf.for %scan3A_60 = %scan3A_45 to %scan3A_47 step %scan3A_48  : i32 {
      %mul3A_61 = arith.constant 16 : i32
      %mul3A_62 = arith.muli %scan3A_60, %mul3A_61 : i32
      %add3A_63 = arith.constant 384 : i32
      %add3A_64 = arith.addi %add3A_63, %mul3A_62 : i32
      %get3A = arith.index_cast %add3A_64 : i32 to index
      %get3A_65 = tpu.vector_load %arg8[%get3A] {strides = array<i32>} : memref<512xf32, #tpu.memory_space<vmem>>, vector<16xf32>,
      %get3A_66 = vector.shape_cast %get3A_65 : vector<16xf32> to vector<16xf32>
      %sub3A = arith.constant 0.000000e+00 : f32
      %sub3A_67 = vector.broadcast %sub3A : f32 to vector<16xf32>
      %sub3A_68 = arith.subf %get3A_66, %sub3A_67 : vector<16xf32>
      %div3A = arith.constant 1.000000e+03 : f32
      %div3A_69 = vector.broadcast %div3A : f32 to vector<16xf32>
      %div3A_70 = arith.divf %sub3A_68, %div3A_69 : vector<16xf32>
      %mul3A_71 = arith.constant 9.990000e+02 : f32
      %mul3A_72 = vector.broadcast %mul3A_71 : f32 to vector<16xf32>
      %mul3A_73 = arith.mulf %div3A_70, %mul3A_72 : vector<16xf32>
      %add3A_74 = arith.constant 0x4B400000 : f32
      %add3A_75 = vector.broadcast %add3A_74 : f32 to vector<16xf32>
      %add3A_76 = arith.addf %mul3A_73, %add3A_75 : vector<16xf32>
      %sub3A_77 = arith.constant 0x4B400000 : f32
      %sub3A_78 = vector.broadcast %sub3A_77 : f32 to vector<16xf32>
      %sub3A_79 = arith.subf %add3A_76, %sub3A_78 : vector<16xf32>
      %max3A = arith.constant 0.000000e+00 : f32
      %max3A_80 = vector.broadcast %max3A : f32 to vector<16xf32>
      %max3A_81 = arith.maximumf %sub3A_79, %max3A_80 : vector<16xf32>
      %min3A = arith.constant 9.990000e+02 : f32
      %min3A_82 = vector.broadcast %min3A : f32 to vector<16xf32>
      %min3A_83 = arith.minimumf %max3A_81, %min3A_82 : vector<16xf32>
      %convert_element_type3A = arith.fptosi %min3A_83 : vector<16xf32> to vector<16xi32>
      %get3A_84 = arith.index_cast %add3A_64 : i32 to index
      %get3A_85 = tpu.vector_load %arg9[%get3A_84] {strides = array<i32>} : memref<512xf32, #tpu.memory_space<vmem>>, vector<16xf32>,
      %get3A_86 = vector.shape_cast %get3A_85 : vector<16xf32> to vector<16xf32>
      %sub3A_87 = arith.constant -5.000000e+00 : f32
      %sub3A_88 = vector.broadcast %sub3A_87 : f32 to vector<16xf32>
      %sub3A_89 = arith.subf %get3A_86, %sub3A_88 : vector<16xf32>
      %div3A_90 = arith.constant 1.000000e+01 : f32
      %div3A_91 = vector.broadcast %div3A_90 : f32 to vector<16xf32>
      %div3A_92 = arith.divf %sub3A_89, %div3A_91 : vector<16xf32>
      %mul3A_93 = arith.constant 9.900000e+01 : f32
      %mul3A_94 = vector.broadcast %mul3A_93 : f32 to vector<16xf32>
      %mul3A_95 = arith.mulf %div3A_92, %mul3A_94 : vector<16xf32>
      %add3A_96 = arith.constant 0x4B400000 : f32
      %add3A_97 = vector.broadcast %add3A_96 : f32 to vector<16xf32>
      %add3A_98 = arith.addf %mul3A_95, %add3A_97 : vector<16xf32>
      %sub3A_99 = arith.constant 0x4B400000 : f32
      %sub3A_100 = vector.broadcast %sub3A_99 : f32 to vector<16xf32>
      %sub3A_101 = arith.subf %add3A_98, %sub3A_100 : vector<16xf32>
      %max3A_102 = arith.constant 0.000000e+00 : f32
      %max3A_103 = vector.broadcast %max3A_102 : f32 to vector<16xf32>
      %max3A_104 = arith.maximumf %sub3A_101, %max3A_103 : vector<16xf32>
      %min3A_105 = arith.constant 9.900000e+01 : f32
      %min3A_106 = vector.broadcast %min3A_105 : f32 to vector<16xf32>
      %min3A_107 = arith.minimumf %max3A_104, %min3A_106 : vector<16xf32>
      %convert_element_type3A_108 = arith.fptosi %min3A_107 : vector<16xf32> to vector<16xi32>
      %get3A_109 = arith.index_cast %add3A_64 : i32 to index
      %get3A_110 = tpu.vector_load %arg10[%get3A_109] {strides = array<i32>} : memref<512xf32, #tpu.memory_space<vmem>>, vector<16xf32>,
      %get3A_111 = vector.shape_cast %get3A_110 : vector<16xf32> to vector<16xf32>
      %sub3A_112 = arith.constant -5.000000e+00 : f32
      %sub3A_113 = vector.broadcast %sub3A_112 : f32 to vector<16xf32>
      %sub3A_114 = arith.subf %get3A_111, %sub3A_113 : vector<16xf32>
      %div3A_115 = arith.constant 1.000000e+01 : f32
      %div3A_116 = vector.broadcast %div3A_115 : f32 to vector<16xf32>
      %div3A_117 = arith.divf %sub3A_114, %div3A_116 : vector<16xf32>
      %mul3A_118 = arith.constant 9.900000e+01 : f32
      %mul3A_119 = vector.broadcast %mul3A_118 : f32 to vector<16xf32>
      %mul3A_120 = arith.mulf %div3A_117, %mul3A_119 : vector<16xf32>
      %add3A_121 = arith.constant 0x4B400000 : f32
      %add3A_122 = vector.broadcast %add3A_121 : f32 to vector<16xf32>
      %add3A_123 = arith.addf %mul3A_120, %add3A_122 : vector<16xf32>
      %sub3A_124 = arith.constant 0x4B400000 : f32
      %sub3A_125 = vector.broadcast %sub3A_124 : f32 to vector<16xf32>
      %sub3A_126 = arith.subf %add3A_123, %sub3A_125 : vector<16xf32>
      %max3A_127 = arith.constant 0.000000e+00 : f32
      %max3A_128 = vector.broadcast %max3A_127 : f32 to vector<16xf32>
      %max3A_129 = arith.maximumf %sub3A_126, %max3A_128 : vector<16xf32>
      %min3A_130 = arith.constant 9.900000e+01 : f32
      %min3A_131 = vector.broadcast %min3A_130 : f32 to vector<16xf32>
      %min3A_132 = arith.minimumf %max3A_129, %min3A_131 : vector<16xf32>
      %convert_element_type3A_133 = arith.fptosi %min3A_132 : vector<16xf32> to vector<16xi32>
      %get3A_134 = arith.index_cast %add3A_64 : i32 to index
      %get3A_135 = tpu.vector_load %arg11[%get3A_134] {strides = array<i32>} : memref<512xf32, #tpu.memory_space<vmem>>, vector<16xf32>,
      %get3A_136 = vector.shape_cast %get3A_135 : vector<16xf32> to vector<16xf32>
      %sub3A_137 = arith.constant -5.000000e+00 : f32
      %sub3A_138 = vector.broadcast %sub3A_137 : f32 to vector<16xf32>
      %sub3A_139 = arith.subf %get3A_136, %sub3A_138 : vector<16xf32>
      %div3A_140 = arith.constant 1.000000e+01 : f32
      %div3A_141 = vector.broadcast %div3A_140 : f32 to vector<16xf32>
      %div3A_142 = arith.divf %sub3A_139, %div3A_141 : vector<16xf32>
      %mul3A_143 = arith.constant 9.900000e+01 : f32
      %mul3A_144 = vector.broadcast %mul3A_143 : f32 to vector<16xf32>
      %mul3A_145 = arith.mulf %div3A_142, %mul3A_144 : vector<16xf32>
      %add3A_146 = arith.constant 0x4B400000 : f32
      %add3A_147 = vector.broadcast %add3A_146 : f32 to vector<16xf32>
      %add3A_148 = arith.addf %mul3A_145, %add3A_147 : vector<16xf32>
      %sub3A_149 = arith.constant 0x4B400000 : f32
      %sub3A_150 = vector.broadcast %sub3A_149 : f32 to vector<16xf32>
      %sub3A_151 = arith.subf %add3A_148, %sub3A_150 : vector<16xf32>
      %max3A_152 = arith.constant 0.000000e+00 : f32
      %max3A_153 = vector.broadcast %max3A_152 : f32 to vector<16xf32>
      %max3A_154 = arith.maximumf %sub3A_151, %max3A_153 : vector<16xf32>
      %min3A_155 = arith.constant 9.900000e+01 : f32
      %min3A_156 = vector.broadcast %min3A_155 : f32 to vector<16xf32>
      %min3A_157 = arith.minimumf %max3A_154, %min3A_156 : vector<16xf32>
      %convert_element_type3A_158 = arith.fptosi %min3A_157 : vector<16xf32> to vector<16xi32>
      %mul3A_159 = arith.constant 1000 : i32
      %mul3A_160 = vector.broadcast %mul3A_159 : i32 to vector<16xi32>
      %mul3A_161 = arith.muli %convert_element_type3A_108, %mul3A_160 : vector<16xi32>
      %add3A_162 = arith.addi %mul3A_161, %convert_element_type3A : vector<16xi32>
      %mul3A_163 = arith.constant 16 : i32
      %mul3A_164 = arith.muli %scan3A_60, %mul3A_163 : i32
      %swap3A = arith.index_cast %mul3A_164 : i32 to index
      %swap3A_165 = tpu.vector_load %arg26[%swap3A] {strides = array<i32>} : memref<128xi32, #tpu.memory_space<vmem>>, vector<16xi32>,
      %swap3A_166 = vector.shape_cast %swap3A_165 : vector<16xi32> to vector<16xi32>
      %swap3A_167 = vector.shape_cast %add3A_162 : vector<16xi32> to vector<16xi32>
      tpu.vector_store %arg26[%swap3A], %swap3A_167 {strides = array<i32>} : memref<128xi32, #tpu.memory_space<vmem>>, vector<16xi32>,
      %mul3A_168 = arith.constant 1000 : i32
      %mul3A_169 = vector.broadcast %mul3A_168 : i32 to vector<16xi32>
      %mul3A_170 = arith.muli %convert_element_type3A_133, %mul3A_169 : vector<16xi32>
      %add3A_171 = arith.addi %mul3A_170, %convert_element_type3A : vector<16xi32>
      %add3A_172 = arith.constant 128000 : i32
      %add3A_173 = vector.broadcast %add3A_172 : i32 to vector<16xi32>
      %add3A_174 = arith.addi %add3A_171, %add3A_173 : vector<16xi32>
      %mul3A_175 = arith.constant 16 : i32
      %mul3A_176 = arith.muli %scan3A_60, %mul3A_175 : i32
      %swap3A_177 = arith.index_cast %mul3A_176 : i32 to index
      %swap3A_178 = tpu.vector_load %arg27[%swap3A_177] {strides = array<i32>} : memref<128xi32, #tpu.memory_space<vmem>>, vector<16xi32>,
      %swap3A_179 = vector.shape_cast %swap3A_178 : vector<16xi32> to vector<16xi32>
      %swap3A_180 = vector.shape_cast %add3A_174 : vector<16xi32> to vector<16xi32>
      tpu.vector_store %arg27[%swap3A_177], %swap3A_180 {strides = array<i32>} : memref<128xi32, #tpu.memory_space<vmem>>, vector<16xi32>,
      %mul3A_181 = arith.constant 1000 : i32
      %mul3A_182 = vector.broadcast %mul3A_181 : i32 to vector<16xi32>
      %mul3A_183 = arith.muli %convert_element_type3A_158, %mul3A_182 : vector<16xi32>
      %add3A_184 = arith.addi %mul3A_183, %convert_element_type3A : vector<16xi32>
      %add3A_185 = arith.constant 256000 : i32
      %add3A_186 = vector.broadcast %add3A_185 : i32 to vector<16xi32>
      %add3A_187 = arith.addi %add3A_184, %add3A_186 : vector<16xi32>
      %mul3A_188 = arith.constant 16 : i32
      %mul3A_189 = arith.muli %scan3A_60, %mul3A_188 : i32
      %swap3A_190 = arith.index_cast %mul3A_189 : i32 to index
      %swap3A_191 = tpu.vector_load %arg28[%swap3A_190] {strides = array<i32>} : memref<128xi32, #tpu.memory_space<vmem>>, vector<16xi32>,
      %swap3A_192 = vector.shape_cast %swap3A_191 : vector<16xi32> to vector<16xi32>
      %swap3A_193 = vector.shape_cast %add3A_187 : vector<16xi32> to vector<16xi32>
      tpu.vector_store %arg28[%swap3A_190], %swap3A_193 {strides = array<i32>} : memref<128xi32, #tpu.memory_space<vmem>>, vector<16xi32>,
    }
    %scan3A_49 = arith.constant 8 : i32
    %dma_wait3A_50 = tpu.memref_slice %arg14[%mul3A_16] : memref<384000xf32, #tpu.memory_space<vmem_shared>> -> memref<24000xf32, #tpu.memory_space<vmem_shared>>
    %dma_wait3A_51 = tpu.memref_slice %arg14[%mul3A_16] : memref<384000xf32, #tpu.memory_space<vmem_shared>> -> memref<24000xf32, #tpu.memory_space<vmem_shared>>
    tpu.wait_dma2 semaphore(%arg16 : memref<!tpu.dma_semaphore, #tpu.memory_space<semaphore_mem>>) src(%arg13 : memref<24000xf32, #tpu.memory_space<vmem>>) dst(%dma_wait3A_51 : memref<24000xf32, #tpu.memory_space<vmem_shared>>)
    %barrier3A = arith.constant 0 : index
    tpu.barrier barrier_id(%barrier3A)
    "tpu.region"() ({
      %run_scoped3A = tpu.sem_alloc : memref<!tpu.dma_semaphore, #tpu.memory_space<semaphore_mem>>
      %dma_start3A_60 = arith.constant 0 : i32
      %dma_start3A_61 = tpu.memref_slice %arg14[%dma_start3A_60] : memref<384000xf32, #tpu.memory_space<vmem_shared>> -> memref<384000xf32, #tpu.memory_space<vmem_shared>>
      tpu.enqueue_indirect_dma source(%arg12 : memref<128xf32, #tpu.memory_space<vmem>>) target(%dma_start3A_61 : memref<384000xf32, #tpu.memory_space<vmem_shared>>) offsets(%arg17 : memref<128xi32, #tpu.memory_space<vmem>>) semaphore(%run_scoped3A : memref<!tpu.dma_semaphore, #tpu.memory_space<semaphore_mem>>) {add = true}
      %dma_wait3A_62 = arith.constant 0 : i32
      %dma_wait3A_63 = tpu.memref_slice %arg14[%dma_wait3A_62] : memref<384000xf32, #tpu.memory_space<vmem_shared>> -> memref<384000xf32, #tpu.memory_space<vmem_shared>>
      tpu.wait_indirect_dma semaphore(%run_scoped3A : memref<!tpu.dma_semaphore, #tpu.memory_space<semaphore_mem>>) src(%arg12 : memref<128xf32, #tpu.memory_space<vmem>>) dst(%dma_wait3A_63 : memref<384000xf32, #tpu.memory_space<vmem_shared>>)
      tpu.yield
    }) : () -> ()
    "tpu.region"() ({
      %run_scoped3A = tpu.sem_alloc : memref<!tpu.dma_semaphore, #tpu.memory_space<semaphore_mem>>
      %dma_start3A_60 = arith.constant 0 : i32
      %dma_start3A_61 = tpu.memref_slice %arg14[%dma_start3A_60] : memref<384000xf32, #tpu.memory_space<vmem_shared>> -> memref<384000xf32, #tpu.memory_space<vmem_shared>>
      tpu.enqueue_indirect_dma source(%arg12 : memref<128xf32, #tpu.memory_space<vmem>>) target(%dma_start3A_61 : memref<384000xf32, #tpu.memory_space<vmem_shared>>) offsets(%arg18 : memref<128xi32, #tpu.memory_space<vmem>>) semaphore(%run_scoped3A : memref<!tpu.dma_semaphore, #tpu.memory_space<semaphore_mem>>) {add = true}
      %dma_wait3A_62 = arith.constant 0 : i32
      %dma_wait3A_63 = tpu.memref_slice %arg14[%dma_wait3A_62] : memref<384000xf32, #tpu.memory_space<vmem_shared>> -> memref<384000xf32, #tpu.memory_space<vmem_shared>>
      tpu.wait_indirect_dma semaphore(%run_scoped3A : memref<!tpu.dma_semaphore, #tpu.memory_space<semaphore_mem>>) src(%arg12 : memref<128xf32, #tpu.memory_space<vmem>>) dst(%dma_wait3A_63 : memref<384000xf32, #tpu.memory_space<vmem_shared>>)
      tpu.yield
    }) : () -> ()
    "tpu.region"() ({
      %run_scoped3A = tpu.sem_alloc : memref<!tpu.dma_semaphore, #tpu.memory_space<semaphore_mem>>
      %dma_start3A_60 = arith.constant 0 : i32
      %dma_start3A_61 = tpu.memref_slice %arg14[%dma_start3A_60] : memref<384000xf32, #tpu.memory_space<vmem_shared>> -> memref<384000xf32, #tpu.memory_space<vmem_shared>>
      tpu.enqueue_indirect_dma source(%arg12 : memref<128xf32, #tpu.memory_space<vmem>>) target(%dma_start3A_61 : memref<384000xf32, #tpu.memory_space<vmem_shared>>) offsets(%arg19 : memref<128xi32, #tpu.memory_space<vmem>>) semaphore(%run_scoped3A : memref<!tpu.dma_semaphore, #tpu.memory_space<semaphore_mem>>) {add = true}
      %dma_wait3A_62 = arith.constant 0 : i32
      %dma_wait3A_63 = tpu.memref_slice %arg14[%dma_wait3A_62] : memref<384000xf32, #tpu.memory_space<vmem_shared>> -> memref<384000xf32, #tpu.memory_space<vmem_shared>>
      tpu.wait_indirect_dma semaphore(%run_scoped3A : memref<!tpu.dma_semaphore, #tpu.memory_space<semaphore_mem>>) src(%arg12 : memref<128xf32, #tpu.memory_space<vmem>>) dst(%dma_wait3A_63 : memref<384000xf32, #tpu.memory_space<vmem_shared>>)
      tpu.yield
    }) : () -> ()
    "tpu.region"() ({
      %run_scoped3A = tpu.sem_alloc : memref<!tpu.dma_semaphore, #tpu.memory_space<semaphore_mem>>
      %dma_start3A_60 = arith.constant 0 : i32
      %dma_start3A_61 = tpu.memref_slice %arg14[%dma_start3A_60] : memref<384000xf32, #tpu.memory_space<vmem_shared>> -> memref<384000xf32, #tpu.memory_space<vmem_shared>>
      tpu.enqueue_indirect_dma source(%arg12 : memref<128xf32, #tpu.memory_space<vmem>>) target(%dma_start3A_61 : memref<384000xf32, #tpu.memory_space<vmem_shared>>) offsets(%arg20 : memref<128xi32, #tpu.memory_space<vmem>>) semaphore(%run_scoped3A : memref<!tpu.dma_semaphore, #tpu.memory_space<semaphore_mem>>) {add = true}
      %dma_wait3A_62 = arith.constant 0 : i32
      %dma_wait3A_63 = tpu.memref_slice %arg14[%dma_wait3A_62] : memref<384000xf32, #tpu.memory_space<vmem_shared>> -> memref<384000xf32, #tpu.memory_space<vmem_shared>>
      tpu.wait_indirect_dma semaphore(%run_scoped3A : memref<!tpu.dma_semaphore, #tpu.memory_space<semaphore_mem>>) src(%arg12 : memref<128xf32, #tpu.memory_space<vmem>>) dst(%dma_wait3A_63 : memref<384000xf32, #tpu.memory_space<vmem_shared>>)
      tpu.yield
    }) : () -> ()
    "tpu.region"() ({
      %run_scoped3A = tpu.sem_alloc : memref<!tpu.dma_semaphore, #tpu.memory_space<semaphore_mem>>
      %dma_start3A_60 = arith.constant 0 : i32
      %dma_start3A_61 = tpu.memref_slice %arg14[%dma_start3A_60] : memref<384000xf32, #tpu.memory_space<vmem_shared>> -> memref<384000xf32, #tpu.memory_space<vmem_shared>>
      tpu.enqueue_indirect_dma source(%arg12 : memref<128xf32, #tpu.memory_space<vmem>>) target(%dma_start3A_61 : memref<384000xf32, #tpu.memory_space<vmem_shared>>) offsets(%arg21 : memref<128xi32, #tpu.memory_space<vmem>>) semaphore(%run_scoped3A : memref<!tpu.dma_semaphore, #tpu.memory_space<semaphore_mem>>) {add = true}
      %dma_wait3A_62 = arith.constant 0 : i32
      %dma_wait3A_63 = tpu.memref_slice %arg14[%dma_wait3A_62] : memref<384000xf32, #tpu.memory_space<vmem_shared>> -> memref<384000xf32, #tpu.memory_space<vmem_shared>>
      tpu.wait_indirect_dma semaphore(%run_scoped3A : memref<!tpu.dma_semaphore, #tpu.memory_space<semaphore_mem>>) src(%arg12 : memref<128xf32, #tpu.memory_space<vmem>>) dst(%dma_wait3A_63 : memref<384000xf32, #tpu.memory_space<vmem_shared>>)
      tpu.yield
    }) : () -> ()
    "tpu.region"() ({
      %run_scoped3A = tpu.sem_alloc : memref<!tpu.dma_semaphore, #tpu.memory_space<semaphore_mem>>
      %dma_start3A_60 = arith.constant 0 : i32
      %dma_start3A_61 = tpu.memref_slice %arg14[%dma_start3A_60] : memref<384000xf32, #tpu.memory_space<vmem_shared>> -> memref<384000xf32, #tpu.memory_space<vmem_shared>>
      tpu.enqueue_indirect_dma source(%arg12 : memref<128xf32, #tpu.memory_space<vmem>>) target(%dma_start3A_61 : memref<384000xf32, #tpu.memory_space<vmem_shared>>) offsets(%arg22 : memref<128xi32, #tpu.memory_space<vmem>>) semaphore(%run_scoped3A : memref<!tpu.dma_semaphore, #tpu.memory_space<semaphore_mem>>) {add = true}
      %dma_wait3A_62 = arith.constant 0 : i32
      %dma_wait3A_63 = tpu.memref_slice %arg14[%dma_wait3A_62] : memref<384000xf32, #tpu.memory_space<vmem_shared>> -> memref<384000xf32, #tpu.memory_space<vmem_shared>>
      tpu.wait_indirect_dma semaphore(%run_scoped3A : memref<!tpu.dma_semaphore, #tpu.memory_space<semaphore_mem>>) src(%arg12 : memref<128xf32, #tpu.memory_space<vmem>>) dst(%dma_wait3A_63 : memref<384000xf32, #tpu.memory_space<vmem_shared>>)
      tpu.yield
    }) : () -> ()
    "tpu.region"() ({
      %run_scoped3A = tpu.sem_alloc : memref<!tpu.dma_semaphore, #tpu.memory_space<semaphore_mem>>
      %dma_start3A_60 = arith.constant 0 : i32
      %dma_start3A_61 = tpu.memref_slice %arg14[%dma_start3A_60] : memref<384000xf32, #tpu.memory_space<vmem_shared>> -> memref<384000xf32, #tpu.memory_space<vmem_shared>>
      tpu.enqueue_indirect_dma source(%arg12 : memref<128xf32, #tpu.memory_space<vmem>>) target(%dma_start3A_61 : memref<384000xf32, #tpu.memory_space<vmem_shared>>) offsets(%arg23 : memref<128xi32, #tpu.memory_space<vmem>>) semaphore(%run_scoped3A : memref<!tpu.dma_semaphore, #tpu.memory_space<semaphore_mem>>) {add = true}
      %dma_wait3A_62 = arith.constant 0 : i32
      %dma_wait3A_63 = tpu.memref_slice %arg14[%dma_wait3A_62] : memref<384000xf32, #tpu.memory_space<vmem_shared>> -> memref<384000xf32, #tpu.memory_space<vmem_shared>>
      tpu.wait_indirect_dma semaphore(%run_scoped3A : memref<!tpu.dma_semaphore, #tpu.memory_space<semaphore_mem>>) src(%arg12 : memref<128xf32, #tpu.memory_space<vmem>>) dst(%dma_wait3A_63 : memref<384000xf32, #tpu.memory_space<vmem_shared>>)
      tpu.yield
    }) : () -> ()
    "tpu.region"() ({
      %run_scoped3A = tpu.sem_alloc : memref<!tpu.dma_semaphore, #tpu.memory_space<semaphore_mem>>
      %dma_start3A_60 = arith.constant 0 : i32
      %dma_start3A_61 = tpu.memref_slice %arg14[%dma_start3A_60] : memref<384000xf32, #tpu.memory_space<vmem_shared>> -> memref<384000xf32, #tpu.memory_space<vmem_shared>>
      tpu.enqueue_indirect_dma source(%arg12 : memref<128xf32, #tpu.memory_space<vmem>>) target(%dma_start3A_61 : memref<384000xf32, #tpu.memory_space<vmem_shared>>) offsets(%arg24 : memref<128xi32, #tpu.memory_space<vmem>>) semaphore(%run_scoped3A : memref<!tpu.dma_semaphore, #tpu.memory_space<semaphore_mem>>) {add = true}
      %dma_wait3A_62 = arith.constant 0 : i32
      %dma_wait3A_63 = tpu.memref_slice %arg14[%dma_wait3A_62] : memref<384000xf32, #tpu.memory_space<vmem_shared>> -> memref<384000xf32, #tpu.memory_space<vmem_shared>>
      tpu.wait_indirect_dma semaphore(%run_scoped3A : memref<!tpu.dma_semaphore, #tpu.memory_space<semaphore_mem>>) src(%arg12 : memref<128xf32, #tpu.memory_space<vmem>>) dst(%dma_wait3A_63 : memref<384000xf32, #tpu.memory_space<vmem_shared>>)
      tpu.yield
    }) : () -> ()
    "tpu.region"() ({
      %run_scoped3A = tpu.sem_alloc : memref<!tpu.dma_semaphore, #tpu.memory_space<semaphore_mem>>
      %dma_start3A_60 = arith.constant 0 : i32
      %dma_start3A_61 = tpu.memref_slice %arg14[%dma_start3A_60] : memref<384000xf32, #tpu.memory_space<vmem_shared>> -> memref<384000xf32, #tpu.memory_space<vmem_shared>>
      tpu.enqueue_indirect_dma source(%arg12 : memref<128xf32, #tpu.memory_space<vmem>>) target(%dma_start3A_61 : memref<384000xf32, #tpu.memory_space<vmem_shared>>) offsets(%arg25 : memref<128xi32, #tpu.memory_space<vmem>>) semaphore(%run_scoped3A : memref<!tpu.dma_semaphore, #tpu.memory_space<semaphore_mem>>) {add = true}
      %dma_wait3A_62 = arith.constant 0 : i32
      %dma_wait3A_63 = tpu.memref_slice %arg14[%dma_wait3A_62] : memref<384000xf32, #tpu.memory_space<vmem_shared>> -> memref<384000xf32, #tpu.memory_space<vmem_shared>>
      tpu.wait_indirect_dma semaphore(%run_scoped3A : memref<!tpu.dma_semaphore, #tpu.memory_space<semaphore_mem>>) src(%arg12 : memref<128xf32, #tpu.memory_space<vmem>>) dst(%dma_wait3A_63 : memref<384000xf32, #tpu.memory_space<vmem_shared>>)
      tpu.yield
    }) : () -> ()
    "tpu.region"() ({
      %run_scoped3A = tpu.sem_alloc : memref<!tpu.dma_semaphore, #tpu.memory_space<semaphore_mem>>
      %dma_start3A_60 = arith.constant 0 : i32
      %dma_start3A_61 = tpu.memref_slice %arg14[%dma_start3A_60] : memref<384000xf32, #tpu.memory_space<vmem_shared>> -> memref<384000xf32, #tpu.memory_space<vmem_shared>>
      tpu.enqueue_indirect_dma source(%arg12 : memref<128xf32, #tpu.memory_space<vmem>>) target(%dma_start3A_61 : memref<384000xf32, #tpu.memory_space<vmem_shared>>) offsets(%arg26 : memref<128xi32, #tpu.memory_space<vmem>>) semaphore(%run_scoped3A : memref<!tpu.dma_semaphore, #tpu.memory_space<semaphore_mem>>) {add = true}
      %dma_wait3A_62 = arith.constant 0 : i32
      %dma_wait3A_63 = tpu.memref_slice %arg14[%dma_wait3A_62] : memref<384000xf32, #tpu.memory_space<vmem_shared>> -> memref<384000xf32, #tpu.memory_space<vmem_shared>>
      tpu.wait_indirect_dma semaphore(%run_scoped3A : memref<!tpu.dma_semaphore, #tpu.memory_space<semaphore_mem>>) src(%arg12 : memref<128xf32, #tpu.memory_space<vmem>>) dst(%dma_wait3A_63 : memref<384000xf32, #tpu.memory_space<vmem_shared>>)
      tpu.yield
    }) : () -> ()
    "tpu.region"() ({
      %run_scoped3A = tpu.sem_alloc : memref<!tpu.dma_semaphore, #tpu.memory_space<semaphore_mem>>
      %dma_start3A_60 = arith.constant 0 : i32
      %dma_start3A_61 = tpu.memref_slice %arg14[%dma_start3A_60] : memref<384000xf32, #tpu.memory_space<vmem_shared>> -> memref<384000xf32, #tpu.memory_space<vmem_shared>>
      tpu.enqueue_indirect_dma source(%arg12 : memref<128xf32, #tpu.memory_space<vmem>>) target(%dma_start3A_61 : memref<384000xf32, #tpu.memory_space<vmem_shared>>) offsets(%arg27 : memref<128xi32, #tpu.memory_space<vmem>>) semaphore(%run_scoped3A : memref<!tpu.dma_semaphore, #tpu.memory_space<semaphore_mem>>) {add = true}
      %dma_wait3A_62 = arith.constant 0 : i32
      %dma_wait3A_63 = tpu.memref_slice %arg14[%dma_wait3A_62] : memref<384000xf32, #tpu.memory_space<vmem_shared>> -> memref<384000xf32, #tpu.memory_space<vmem_shared>>
      tpu.wait_indirect_dma semaphore(%run_scoped3A : memref<!tpu.dma_semaphore, #tpu.memory_space<semaphore_mem>>) src(%arg12 : memref<128xf32, #tpu.memory_space<vmem>>) dst(%dma_wait3A_63 : memref<384000xf32, #tpu.memory_space<vmem_shared>>)
      tpu.yield
    }) : () -> ()
    "tpu.region"() ({
      %run_scoped3A = tpu.sem_alloc : memref<!tpu.dma_semaphore, #tpu.memory_space<semaphore_mem>>
      %dma_start3A_60 = arith.constant 0 : i32
      %dma_start3A_61 = tpu.memref_slice %arg14[%dma_start3A_60] : memref<384000xf32, #tpu.memory_space<vmem_shared>> -> memref<384000xf32, #tpu.memory_space<vmem_shared>>
      tpu.enqueue_indirect_dma source(%arg12 : memref<128xf32, #tpu.memory_space<vmem>>) target(%dma_start3A_61 : memref<384000xf32, #tpu.memory_space<vmem_shared>>) offsets(%arg28 : memref<128xi32, #tpu.memory_space<vmem>>) semaphore(%run_scoped3A : memref<!tpu.dma_semaphore, #tpu.memory_space<semaphore_mem>>) {add = true}
      %dma_wait3A_62 = arith.constant 0 : i32
      %dma_wait3A_63 = tpu.memref_slice %arg14[%dma_wait3A_62] : memref<384000xf32, #tpu.memory_space<vmem_shared>> -> memref<384000xf32, #tpu.memory_space<vmem_shared>>
      tpu.wait_indirect_dma semaphore(%run_scoped3A : memref<!tpu.dma_semaphore, #tpu.memory_space<semaphore_mem>>) src(%arg12 : memref<128xf32, #tpu.memory_space<vmem>>) dst(%dma_wait3A_63 : memref<384000xf32, #tpu.memory_space<vmem_shared>>)
      tpu.yield
    }) : () -> ()
    %barrier3A_52 = arith.constant 0 : index
    tpu.barrier barrier_id(%barrier3A_52)
    %mul3A_53 = arith.constant 24000 : i32
    %mul3A_54 = arith.muli %arg1, %mul3A_53 : i32
    "tpu.region"() ({
      %run_scoped3A = tpu.sem_alloc : memref<!tpu.dma_semaphore, #tpu.memory_space<semaphore_mem>>
      %dma_start3A_60 = tpu.memref_slice %arg14[%mul3A_54] : memref<384000xf32, #tpu.memory_space<vmem_shared>> -> memref<24000xf32, #tpu.memory_space<vmem_shared>>
      %dma_start3A_61 = tpu.memref_slice %arg14[%mul3A_54] : memref<384000xf32, #tpu.memory_space<vmem_shared>> -> memref<24000xf32, #tpu.memory_space<vmem_shared>>
      tpu.enqueue_dma source(%dma_start3A_61 : memref<24000xf32, #tpu.memory_space<vmem_shared>>) target(%arg13 : memref<24000xf32, #tpu.memory_space<vmem>>) target_semaphore(%run_scoped3A : memref<!tpu.dma_semaphore, #tpu.memory_space<semaphore_mem>>)
      %dma_wait3A_62 = tpu.memref_slice %arg14[%mul3A_54] : memref<384000xf32, #tpu.memory_space<vmem_shared>> -> memref<24000xf32, #tpu.memory_space<vmem_shared>>
      %dma_wait3A_63 = tpu.memref_slice %arg14[%mul3A_54] : memref<384000xf32, #tpu.memory_space<vmem_shared>> -> memref<24000xf32, #tpu.memory_space<vmem_shared>>
      tpu.wait_dma2 semaphore(%run_scoped3A : memref<!tpu.dma_semaphore, #tpu.memory_space<semaphore_mem>>) src(%dma_wait3A_63 : memref<24000xf32, #tpu.memory_space<vmem_shared>>) dst(%arg13 : memref<24000xf32, #tpu.memory_space<vmem>>)
      tpu.yield
    }) : () -> ()
    %mul3A_55 = arith.constant 384000 : i32
    %mul3A_56 = arith.muli %arg0, %mul3A_55 : i32
    %mul3A_57 = arith.constant 24000 : i32
    %mul3A_58 = arith.muli %arg1, %mul3A_57 : i32
    %add3A_59 = arith.addi %mul3A_56, %mul3A_58 : i32
    "tpu.region"() ({
      %run_scoped3A = tpu.sem_alloc : memref<!tpu.dma_semaphore, #tpu.memory_space<semaphore_mem>>
      %dma_start3A_60 = tpu.memref_slice %arg7[%add3A_59] : memref<768000xf32, #tpu.memory_space<hbm>> -> memref<24000xf32, #tpu.memory_space<hbm>>
      %dma_start3A_61 = tpu.memref_slice %arg7[%add3A_59] : memref<768000xf32, #tpu.memory_space<hbm>> -> memref<24000xf32, #tpu.memory_space<hbm>>
      tpu.enqueue_dma source(%arg13 : memref<24000xf32, #tpu.memory_space<vmem>>) target(%dma_start3A_61 : memref<24000xf32, #tpu.memory_space<hbm>>) target_semaphore(%run_scoped3A : memref<!tpu.dma_semaphore, #tpu.memory_space<semaphore_mem>>)
      %dma_wait3A_62 = tpu.memref_slice %arg7[%add3A_59] : memref<768000xf32, #tpu.memory_space<hbm>> -> memref<24000xf32, #tpu.memory_space<hbm>>
      %dma_wait3A_63 = tpu.memref_slice %arg7[%add3A_59] : memref<768000xf32, #tpu.memory_space<hbm>> -> memref<24000xf32, #tpu.memory_space<hbm>>
      tpu.wait_dma2 semaphore(%run_scoped3A : memref<!tpu.dma_semaphore, #tpu.memory_space<semaphore_mem>>) src(%arg13 : memref<24000xf32, #tpu.memory_space<vmem>>) dst(%dma_wait3A_63 : memref<24000xf32, #tpu.memory_space<hbm>>)
      tpu.yield
    }) : () -> ()
    return
  }
}

module attributes {stable_mosaic.version = 14 : i64} {
  func.func @_tc_body(%arg0: memref<2x384x1000xf32, #tpu.memory_space<vmem>>, %arg1: memref<1000x1024xf32, #tpu.memory_space<vmem>>, %arg2: memref<100x1024xf32, #tpu.memory_space<vmem>>, %arg3: memref<100x1024xf32, #tpu.memory_space<vmem>>, %arg4: memref<100x1024xf32, #tpu.memory_space<vmem>>, %arg5: memref<3x1024xf32, #tpu.memory_space<vmem>>, %arg6: memref<1x1024xf32, #tpu.memory_space<vmem>>) attributes {dimension_semantics = [], scalar_prefetch = 0 : i64, scratch_operands = 0 : i64, tpu.core_type = #tpu.core_type<tc>} {
    %get3A = arith.constant 0 : index
    %get3A_0 = arith.constant 0 : index
    %get3A_1 = arith.constant 0 : index
    %get3A_2 = vector.load %arg0[%get3A, %get3A_0, %get3A_1] : memref<2x384x1000xf32, #tpu.memory_space<vmem>>, vector<1x384x1000xf32>
    %get3A_3 = vector.shape_cast %get3A_2 : vector<1x384x1000xf32> to vector<384x1000xf32>
    %get3A_4 = arith.constant 1 : index
    %get3A_5 = arith.constant 0 : index
    %get3A_6 = arith.constant 0 : index
    %get3A_7 = vector.load %arg0[%get3A_4, %get3A_5, %get3A_6] : memref<2x384x1000xf32, #tpu.memory_space<vmem>>, vector<1x384x1000xf32>
    %get3A_8 = vector.shape_cast %get3A_7 : vector<1x384x1000xf32> to vector<384x1000xf32>
    %add3A = arith.addf %get3A_3, %get3A_8 : vector<384x1000xf32>
    %convert_element_type3A = arith.fptosi %add3A : vector<384x1000xf32> to vector<384x1000xi32>
    %shift_right_arithmetic3A = arith.constant 8 : i32
    %shift_right_arithmetic3A_9 = vector.broadcast %shift_right_arithmetic3A : i32 to vector<384x1000xi32>
    %shift_right_arithmetic3A_10 = arith.shrsi %convert_element_type3A, %shift_right_arithmetic3A_9 : vector<384x1000xi32>
    %convert_element_type3A_11 = arith.sitofp %shift_right_arithmetic3A_10 : vector<384x1000xi32> to vector<384x1000xbf16>
    %and3A = arith.constant 255 : i32
    %and3A_12 = vector.broadcast %and3A : i32 to vector<384x1000xi32>
    %and3A_13 = arith.andi %convert_element_type3A, %and3A_12 : vector<384x1000xi32>
    %convert_element_type3A_14 = arith.sitofp %and3A_13 : vector<384x1000xi32> to vector<384x1000xbf16>
    %get3A_15 = arith.constant 0 : index
    %get3A_16 = arith.constant 0 : index
    %get3A_17 = vector.load %arg1[%get3A_15, %get3A_16] : memref<1000x1024xf32, #tpu.memory_space<vmem>>, vector<1000x1024xf32>
    %convert_element_type3A_18 = arith.truncf %get3A_17 : vector<1000x1024xf32> to vector<1000x1024xbf16>
    %dot_general3A = arith.constant dense<0.000000e+00> : vector<384x1024xf32>
    %dot_general3A_19 = tpu.matmul %convert_element_type3A_11, %convert_element_type3A_18, %dot_general3A {dimension_numbers = #tpu.dot_dimension_numbers<[1], [0], [0], [1], [0, 0, 1, 1], [], []>, transpose_lhs_hint = false} : vector<384x1000xbf16>, vector<1000x1024xbf16>, vector<384x1024xf32> -> vector<384x1024xf32>
    %mul3A = arith.constant 2.560000e+02 : f32
    %mul3A_20 = vector.broadcast %mul3A : f32 to vector<384x1024xf32>
    %mul3A_21 = arith.mulf %dot_general3A_19, %mul3A_20 : vector<384x1024xf32>
    %dot_general3A_22 = arith.constant dense<0.000000e+00> : vector<384x1024xf32>
    %dot_general3A_23 = tpu.matmul %convert_element_type3A_14, %convert_element_type3A_18, %dot_general3A_22 {dimension_numbers = #tpu.dot_dimension_numbers<[1], [0], [0], [1], [0, 0, 1, 1], [], []>, transpose_lhs_hint = false} : vector<384x1000xbf16>, vector<1000x1024xbf16>, vector<384x1024xf32> -> vector<384x1024xf32>
    %add3A_24 = arith.addf %mul3A_21, %dot_general3A_23 : vector<384x1024xf32>
    %get3A_25 = arith.constant 0 : index
    %get3A_26 = arith.constant 0 : index
    %get3A_27 = vector.load %arg2[%get3A_25, %get3A_26] : memref<100x1024xf32, #tpu.memory_space<vmem>>, vector<100x1024xf32>
    %slice3A = vector.extract_strided_slice %add3A_24 {offsets = [0, 0], sizes = [100, 1024], strides = [1, 1]} : vector<384x1024xf32> to vector<100x1024xf32>
    %mul3A_28 = arith.mulf %get3A_27, %slice3A : vector<100x1024xf32>
    %reduce_sum3A = arith.constant dense<0.000000e+00> : vector<1024xf32>
    %reduce_sum3A_29 = vector.multi_reduction <add>, %mul3A_28, %reduce_sum3A [0] : vector<100x1024xf32> to vector<1024xf32>
    %broadcast_in_dim3A = vector.shape_cast %reduce_sum3A_29 : vector<1024xf32> to vector<1x1024xf32>
    %get3A_30 = arith.constant 0 : index
    %get3A_31 = arith.constant 0 : index
    %get3A_32 = vector.load %arg3[%get3A_30, %get3A_31] : memref<100x1024xf32, #tpu.memory_space<vmem>>, vector<100x1024xf32>
    %slice3A_33 = vector.extract_strided_slice %add3A_24 {offsets = [128, 0], sizes = [100, 1024], strides = [1, 1]} : vector<384x1024xf32> to vector<100x1024xf32>
    %mul3A_34 = arith.mulf %get3A_32, %slice3A_33 : vector<100x1024xf32>
    %reduce_sum3A_35 = arith.constant dense<0.000000e+00> : vector<1024xf32>
    %reduce_sum3A_36 = vector.multi_reduction <add>, %mul3A_34, %reduce_sum3A_35 [0] : vector<100x1024xf32> to vector<1024xf32>
    %broadcast_in_dim3A_37 = vector.shape_cast %reduce_sum3A_36 : vector<1024xf32> to vector<1x1024xf32>
    %get3A_38 = arith.constant 0 : index
    %get3A_39 = arith.constant 0 : index
    %get3A_40 = vector.load %arg4[%get3A_38, %get3A_39] : memref<100x1024xf32, #tpu.memory_space<vmem>>, vector<100x1024xf32>
    %slice3A_41 = vector.extract_strided_slice %add3A_24 {offsets = [256, 0], sizes = [100, 1024], strides = [1, 1]} : vector<384x1024xf32> to vector<100x1024xf32>
    %mul3A_42 = arith.mulf %get3A_40, %slice3A_41 : vector<100x1024xf32>
    %reduce_sum3A_43 = arith.constant dense<0.000000e+00> : vector<1024xf32>
    %reduce_sum3A_44 = vector.multi_reduction <add>, %mul3A_42, %reduce_sum3A_43 [0] : vector<100x1024xf32> to vector<1024xf32>
    %broadcast_in_dim3A_45 = vector.shape_cast %reduce_sum3A_44 : vector<1024xf32> to vector<1x1024xf32>
    %get3A_46 = arith.constant 0 : index
    %get3A_47 = arith.constant 0 : index
    %get3A_48 = vector.load %arg5[%get3A_46, %get3A_47] : memref<3x1024xf32, #tpu.memory_space<vmem>>, vector<1x1024xf32>
    %mul3A_49 = arith.mulf %get3A_48, %broadcast_in_dim3A : vector<1x1024xf32>
    %get3A_50 = arith.constant 1 : index
    %get3A_51 = arith.constant 0 : index
    %get3A_52 = vector.load %arg5[%get3A_50, %get3A_51] : memref<3x1024xf32, #tpu.memory_space<vmem>>, vector<1x1024xf32>
    %mul3A_53 = arith.mulf %get3A_52, %broadcast_in_dim3A_37 : vector<1x1024xf32>
    %add3A_54 = arith.addf %mul3A_49, %mul3A_53 : vector<1x1024xf32>
    %get3A_55 = arith.constant 2 : index
    %get3A_56 = arith.constant 0 : index
    %get3A_57 = vector.load %arg5[%get3A_55, %get3A_56] : memref<3x1024xf32, #tpu.memory_space<vmem>>, vector<1x1024xf32>
    %mul3A_58 = arith.mulf %get3A_57, %broadcast_in_dim3A_45 : vector<1x1024xf32>
    %add3A_59 = arith.addf %add3A_54, %mul3A_58 : vector<1x1024xf32>
    %gt3A = arith.constant 0.000000e+00 : f32
    %gt3A_60 = vector.broadcast %gt3A : f32 to vector<1x1024xf32>
    %gt3A_61 = arith.cmpf ogt, %add3A_59, %gt3A_60 : vector<1x1024xf32>
    %jit3A = arith.constant 1.000000e+00 : f32
    %jit3A_62 = arith.constant -1.000000e+00 : f32
    %broadcast_in_dim3A_63 = vector.broadcast %jit3A : f32 to vector<1x1024xf32>
    %broadcast_in_dim3A_64 = vector.broadcast %jit3A_62 : f32 to vector<1x1024xf32>
    %select_n3A = arith.select %gt3A_61, %broadcast_in_dim3A_63, %broadcast_in_dim3A_64 : vector<1x1024xi1>, vector<1x1024xf32>
    %swap3A = arith.constant 0 : index
    %swap3A_65 = arith.constant 0 : index
    %swap3A_66 = vector.load %arg6[%swap3A, %swap3A_65] : memref<1x1024xf32, #tpu.memory_space<vmem>>, vector<1x1024xf32>
    tpu.vector_store %arg6[%swap3A, %swap3A_65], %select_n3A {strides = array<i32>} : memref<1x1024xf32, #tpu.memory_space<vmem>>, vector<1x1024xf32>,
    return
  }
}

</mosaic_0001>

<sc_bundles>
// kernel: kernel.4.cloned.1.call-start
scs
__scs_entry_jumppad:
0x0: {  	(pc) =	sbr.rel $0x88, $3  }
0x1: {  	(tag) =	ssettag $0x0;
	lr =	simm.s32 $0x1  }
0x2: {  	[smem:$0x3F9B] =	sst lr;
	_ =	strace $0xD0000000  }
0x3: {  	_ = 	snop  }
0x4: {  	_ = 	snop  }
0x5: {  	_ = 	snop  }
0x6: {  	_ = 	snop  }
0x7: {  	_ = 	snop  }
__scs_overlays_trampoline_lowered:
0x8: {  	[smem:$0x3FAA] =	sst s0  }
0x9: {  	[smem:$0x3FAB] =	sst s1  }
0xa: {  	[smem:$0x3FAC] =	sst s2  }
0xb: {  	[smem:$0x3FAD] =	sst s3  }
0xc: {  	[smem:$0x3FAE] =	sst s4  }
0xd: {  	[smem:$0x3FAF] =	sst s5  }
0xe: {  	[smem:$0x3FB0] =	sst s6  }
0xf: {  	[smem:$0x3FB1] =	sst s7  }
0x10: {  	[smem:$0x3FB2] =	sst s8  }
0x11: {  	[smem:$0x3FB3] =	sst s9;
	s0 =	simm.s32 @!p0 $0x0  }
0x12: {  	s1 =	sld [smem:$0x3F99];
	s0 =	simm.s32 @p0 $0x1  }
0x13: {  	[smem:$0x3FB4] =	sst s0;
	s0 =	simm.s32 @!p1 $0x0  }
0x14: {  	s2 =	sld [smem:$0x3F98];
	s0 =	simm.s32 @p1 $0x1  }
0x15: {  	[smem:$0x3FB5] =	sst s0;
	s0 =	simm.s32 @!p2 $0x0  }
0x16: {  	s3 =	sld [smem:$0x3FDB];
	s0 =	simm.s32 @p2 $0x1  }
0x17: {  	s4 =	simm.s32 $0x1BF5;
	[smem:$0x3FB7] =	sst s0  }
0x18: {  	s0 =	sld [smem:$0x3F9A];
	_ =	swait.ge [sflag:s4], $0x0  }
0x19: {  	s7 =	sld [smem:$0x3F9B]  }
0x1a: {  	s8 =	sadd.s32 $0xFFFFE003, lr  }
0x1b: {  	s9 =	sadd.s32 $0xFFFFFEF7, lr;
	s5 =	simm.s32 $0xFFFFFFFF;
	p2 =	slt.u32 s8, $0xFFFFF086  }
0x1c: {  	p1 =	slt.u32 s9, $0xF7A;
	s5 =	simm.s32 @!p2 $0x0  }
0x1d: {  	s5 =	simm.s32 @p1 $0x1;
	p0 =	seq.s32 s7, s2  }
0x1e: {  	s7 =	smul.u32 @!p0 $0xF7A, s2;
	p2 =	seq.s32 @!p0 s5, $0x0  }
0x1f: {  	s9 =	smul.u32 $0xF7A, s1;
	s8 =	simm.s32 @!p0 $0x1BF5;
	p2 =	por !p2, p0  }
0x20: {  	[sflag:s8] =	ssyncset.s32 @!p0 $0xFFFFF086;
	s6 =	sadd.s32 @!p0 s3, s7;
	s7 =	simm.s32 @!p0 $0x108  }
0x21: {  	s3 =	sadd.s32 s3, s9;
	s6 =	sadd.s32 @!p0 $0x88, s6;
	s7 =	simm.s32 @p2 $0x1082  }
0x22: {  	[simem:s7], [sflag:s8] =	dma.local @!p0 [hbm:s6], $0xF7A  }
0x23: {  	s9 =	sor.u32 $0xD0000000, s2;
	s6 =	simm.s32 $0x108;
	_ =	swait.ge @!p0 [sflag:s8], $0x0  }
0x24: {  	s3 =	sadd.s32 $0x88, s3;
	s6 =	simm.s32 @!p1 $0x1082;
	[sflag:s4] =	ssyncset.s32 $0xFFFFF086  }
0x25: {  	[simem:s6], [sflag:s4] =	dma.local [hbm:s3], $0xF7A  }
0x26: {  	[smem:$0x3F9B] =	sst s1;
	(tag) =	ssettag s2;
	_ =	strace s9  }
0x27: {  	s1 =	sld [smem:$0x3FAB]  }
0x28: {  	s2 =	sld [smem:$0x3FAC]  }
0x29: {  	s4 =	sld [smem:$0x3FAE]  }
0x2a: {  	p0 =	seq.s32 s5, $0x0;
	s5 =	sld [smem:$0x3FAF]  }
0x2b: {  	s6 =	sld [smem:$0x3FB0]  }
0x2c: {  	s7 =	sld [smem:$0x3FB1]  }
0x2d: {  	s3 =	simm.s32 $0x108;
	s8 =	sld [smem:$0x3FB2]  }
0x2e: {  	s3 =	simm.s32 @!p0 $0x1082;
	s9 =	sld [smem:$0x3FB3]  }
0x2f: {  	lr =	sadd.s32 s0, s3;
	s0 =	sld [smem:$0x3FAA]  }
0x30: {  	s3 =	sld [smem:$0x3FAD]  }
0x31: {  	[smem:$0x3FB6] =	sst s10  }
0x32: {  	s10 =	sld [smem:$0x3FB4];
	_ =	sdelay $0x3  }
0x33: {  	p0 =	seq.s32 s10, $0x1;
	s10 =	sld [smem:$0x3FB6];
	_ =	sdelay $0x3  }
0x34: {  	[smem:$0x3FB6] =	sst s10  }
0x35: {  	s10 =	sld [smem:$0x3FB5];
	_ =	sdelay $0x3  }
0x36: {  	p1 =	seq.s32 s10, $0x1;
	s10 =	sld [smem:$0x3FB6];
	_ =	sdelay $0x3  }
0x37: {  	[smem:$0x3FB6] =	sst s10  }
0x38: {  	s10 =	sld [smem:$0x3FB7]  }
0x39: {  	_ = 	snop;
	(pc) =	sbr.ind lr, $3  }
0x3a: {  	_ = 	snop  }
0x3b: {  	_ = 	snop  }
0x3c: {  	p2 =	seq.s32 s10, $0x1;
	s10 =	sld [smem:$0x3FB6]  }
0x3d: {  	_ =	shalt  }
0x3e: {  	_ =	shalt  }
0x3f: {  	_ =	shalt  }
0x40: {  	_ =	shalt  }
0x41: {  	_ =	shalt  }
0x42: {  	_ =	shalt  }
0x43: {  	_ =	shalt  }
0x44: {  	_ =	shalt  }
0x45: {  	_ =	shalt  }
0x46: {  	_ =	shalt  }
0x47: {  	_ =	shalt  }
0x48: {  	_ =	shalt  }
0x49: {  	_ =	shalt  }
0x4a: {  	_ =	shalt  }
0x4b: {  	_ =	shalt  }
0x4c: {  	_ =	shalt  }
0x4d: {  	_ =	shalt  }
0x4e: {  	_ =	shalt  }
0x4f: {  	_ =	shalt  }
0x50: {  	_ =	shalt  }
0x51: {  	_ =	shalt  }
0x52: {  	_ =	shalt  }
0x53: {  	_ =	shalt  }
0x54: {  	_ =	shalt  }
0x55: {  	_ =	shalt  }
0x56: {  	_ =	shalt  }
0x57: {  	_ =	shalt  }
0x58: {  	_ =	shalt  }
0x59: {  	_ =	shalt  }
0x5a: {  	_ =	shalt  }
0x5b: {  	_ =	shalt  }
0x5c: {  	_ =	shalt  }
0x5d: {  	_ =	shalt  }
0x5e: {  	_ =	shalt  }
0x5f: {  	_ =	shalt  }
0x60: {  	_ =	shalt  }
0x61: {  	_ =	shalt  }
0x62: {  	_ =	shalt  }
0x63: {  	_ =	shalt  }
0x64: {  	_ =	shalt  }
0x65: {  	_ =	shalt  }
0x66: {  	_ =	shalt  }
0x67: {  	_ =	shalt  }
0x68: {  	_ =	shalt  }
0x69: {  	_ =	shalt  }
0x6a: {  	_ =	shalt  }
0x6b: {  	_ =	shalt  }
0x6c: {  	_ =	shalt  }
0x6d: {  	_ =	shalt  }
0x6e: {  	_ =	shalt  }
0x6f: {  	_ =	shalt  }
0x70: {  	_ =	shalt  }
0x71: {  	_ =	shalt  }
0x72: {  	_ =	shalt  }
0x73: {  	_ =	shalt  }
0x74: {  	_ =	shalt  }
0x75: {  	_ =	shalt  }
0x76: {  	_ =	shalt  }
0x77: {  	_ =	shalt  }
0x78: {  	_ =	shalt  }
0x79: {  	_ =	shalt  }
0x7a: {  	_ =	shalt  }
0x7b: {  	_ =	shalt  }
0x7c: {  	_ =	shalt  }
0x7d: {  	_ =	shalt  }
0x7e: {  	_ =	shalt  }
0x7f: {  	_ =	shalt  }
0x80: {  	_ =	shalt  }
0x81: {  	_ =	shalt  }
0x82: {  	_ =	shalt  }
0x83: {  	_ =	shalt  }
0x84: {  	_ =	shalt  }
0x85: {  	_ =	shalt  }
0x86: {  	_ =	shalt  }
0x87: {  	_ =	shalt  }
.Lfunc_end0:
.L_simem_size_0:
called_computation_lowered:
.L_overlay_start_0:
0x88: {  	s2 =	sld [smem:$0x3FD9]  }
0x89: {  	s3 =	sld [smem:$0x3FFE];
	_ =	sdelay $0x1  }
0x8a: {  	s1 =	srdreg.scid  }
0x8b: {  	s0 =	sand.u32 $0x1, s1  }
0x8c: {  	s17 =	sshll.u32 s0, $0xA;
	s2 =	sadd.s32 s3, s2  }
0x8d: {  	s2 =	sadd.s32 s2, s17  }
0x8e: {  	[smem:$0x3FC2] =	sst s2  }
0x8f: {  	_ = 	snop  }
0x90: {  	s2 =	sld [smem:$0x3FD0];
	(tm) =	ssettm $0x1  }
0x91: {  	s18 =	sld [smem:$0x3FFB];
	_ =	sdelay $0x3  }
0x92: {  	_ =	strace s18  }
0x93: {  	s3 =	sld [smem:$0x3FFC];
	_ =	sdelay $0x3  }
0x94: {  	_ =	strace s3  }
0x95: {  	s3 =	sld [smem:$0x3FFD];
	_ =	sdelay $0x3  }
0x96: {  	_ =	strace s3  }
0x97: {  	_ =	strace $0x8FFFFFFF  }
0x98: {  	s19 =	sld [smem:$0x3FDB];
	_ =	sdelay $0x1  }
0x99: {  	s4 =	simm.s32 $_scs_section_size  }
0x9a: {  	s5 =	simm.s32 $_size__tile_overlayer_lowered;
	s6 =	simm.s32 $_tile_overlayer_lowered  }
0x9b: {  	s22 =	simm.s32 $0x1BFF;
	s21 =	sshll.u32 s6, $0x1;
	s3 =	sadd.s32 s4, s19  }
0x9c: {  	s7 =	simm.s32 $0x0;
	s20 =	sshll.u32 s5, $0x1;
	s5 =	sadd.s32 s21, s3  }
0x9d: {  	[timem:s7], [sflag:s22] =	dma.local [hbm:s5], s20  }
0x9e: {  	_ =	swait.ge [sflag:s22], s20  }
0x9f: {  	s4 =	ssub.s32 $0x0, s20;
	[sflag:s22] =	ssyncset.done $0x0  }
0xa0: {  	[sflag:s22] =	ssyncadd.s32 s4;
	_ =	sdelay $0x1  }
0xa1: {  	s23 =	simm.s32 $0x1B8B  }
0xa2: {  	_ =	swait.ge [sflag:s23], $0x1  }
0xa3: {  	[sflag:s23] =	ssyncset.done $0x0  }
0xa4: {  	s25 =	simm.s32 $0x1B8E;
	s24 =	sld [smem:$0x3FFE];
	[sflag:s23] =	ssyncadd.s32 $0xFFFFFFFF  }
0xa5: {  	s26 =	simm.s32 $execute0_lowered;
	[smem:$0x3FD2] =	sst s25  }
0xa6: {  	s5 =	sshll.u32 s26, $0x1;
	_ =	strace $0x80000046;
	[dreg:$0x1] =	wrdreg $0xFFFFFFFF  }
0xa7: {  	s28 =	simm.s32 $_size_execute0_lowered;
	s3 =	sadd.s32 s3, s5;
	[dreg:$0x0] =	wrdreg $0x0  }
0xa8: {  	s5 =	sshll.u32 s28, $0x1;
	[dreg:$0x2] =	wrdreg s3  }
0xa9: {  	[dreg:$0x3] =	wrdreg s5  }
0xaa: {  	[dreg:$0x4] =	wrdreg $0xC0  }
0xab: {  	_ =	task [dreg:s7], $0x5FFFF  }
0xac: {  	[dreg:$0x1] =	wrdreg $0xFFFFFFFF  }
0xad: {  	[dreg:$0x0] =	wrdreg $0x60  }
0xae: {  	[dreg:$0x2] =	wrdreg s24  }
0xaf: {  	[dreg:$0x3] =	wrdreg s2  }
0xb0: {  	[dreg:$0x4] =	wrdreg $0x66800  }
0xb1: {  	[dreg:$0x5] =	wrdreg $0x9  }
0xb2: {  	_ =	task.clear_ibuf [dreg:s7], $0x6FFFF;
	_ =	strace $0x90000046  }
0xb3: {  	s29 =	simm.s32 $0x9;
	_ =	strace $0x80000048  }
0xb4: {  	_ =	swait.ge [sflag:s29], $0x1  }
0xb5: {  	[sflag:s29] =	ssyncadd.s32 $0xFFFFFFFF  }
0xb6: {  	_ =	strace $0x90000048  }
0xb7: {  	_ =	sfence  }
0xb8: {  	s30 =	sld [smem:$0x0];
	_ =	sdelay $0x2  }
0xb9: {  	s31 =	sshll.u32 s1, $0xD;
	s1 =	sshrl.u32 s1, $0x2  }
0xba: {  	s3 =	sand.u32 $0x4000, s31;
	s1 =	sadd.s32 s1, s30  }
0xbb: {  	s0 =	sor.u32 s3, s0;
	s1 =	sshll.u32 s1, $0x11  }
0xbc: {  	s0 =	sor.u32 s1, s0  }
0xbd: {  	s0 =	sadd.s32 $0x8F2B, s0  }
0xbe: {  	[sflag:s0] =	ssyncadd.remote.s32 $0x1  }
0xbf: {  	_ =	sfence.sel $0xFFFF  }
0xc0: {  	[dreg:$0x0] =	wrdreg $0xFFFFFFFF;
	(pc) =	sbr.abs _section_cstart, $3  }
0xc1: {  	[dreg:$0x1] =	wrdreg $0xFFFFFFFF  }
0xc2: {  	_ =	task.clear_ibuf [dreg:s7], $0x2FFFF;
	_ =	strace $0x9FFFFFFF  }
0xc3: {  	(tm) =	ssettm $0x7FFFFFFF  }
tec
execute0_lowered:
.L_overlay_start_1:
0x0: {  	(tag) =	ssettag $0x1  }
0x1: {  	s0 =	rddreg [dreg:$0x0]  }
0x2: {  	s3 =	rddreg [dreg:$0x2]  }
0x3: {  	s1 =	srdreg.scid;
	s7 =	stileid.u32  }
0x4: {  	s4 =	simm.s32 $0x0;
	s15 =	simm.s32 $0x800;
	s16 =	simm.s32 $0x880  }
0x5: {  	s17 =	simm.s32 $0x1;
	s18 =	simm.s32 $0x2;
	[smem:$0x7FF] =	sst s4  }
0x6: {  	v0 =	vimm.f32 $1.000000000e+03;
	s19 =	simm.s32 $0x80;
	s20 =	simm.s32 $0xC440;
	_ =	strace $0x80000047  }
0x7: {  	s21 =	simm.s32 $0x3;
	s22 =	simm.s32 $0xC4C0;
	s23 =	simm.s32 $0xC540;
	(erf) = vrcp.f32 v0;
	v0 =	vimm.f32 $1.000000000e+01  }
0x8: {  	s24 =	simm.s32 $0xC5C0;
	s25 =	simm.s32 $0xC640;
	s28 =	simm.s32 $0xC740;
	(erf) = vrcp.f32 v0  }
0x9: {  	s29 =	simm.s32 $0xC7C0;
	s30 =	simm.s32 $0xC840;
	s31 =	simm.s32 $0xC8C0  }
0xa: {  	s1 =	sand.u32 $0x1, s1;
	s2 =	smul.u32 $0x5DC0, s7;
	s7 =	sshll.u32 s7, $0x6  }
0xb: {  	s5 =	smul.u32 $0x5DC00, s1;
	s6 =	sshll.u32 s1, $0xA;
	s1 =	ssub.s32 $0x2, s1  }
0xc: {  	s6 =	sor.u32 s7, s6;
	s26 =	sshrl.u32 s1, $0x1;
	s9 =	sadd.s32 s2, s3  }
0xd: {  	s5 =	sadd.s32 s2, s5;
	s8 =	sadd.s32 s6, s0;
	s1 =	ssub.s32 s1, s26  }
0xe: {  	s26 =	simm.s32 $0xC6C0;
	s2 =	simm.s32 $0x0;
	s5 =	sshrl.u32 s5, $0x3  }
0xf: {  	s6 =	sadd.s32 $0x2000, s8;
	s7 =	sadd.s32 $0x1800, s8;
	s11 =	smax.u32 s1, $0x1  }
0x10: {  	s1 =	simm.s32 $0xC9C0;
	s0 =	sadd.s32 s5, s0;
	s5 =	sadd.s32 $0x2800, s8;
	v0 =	vpop (erf)  }
0x11: {  	v2 =	vimm.f32 $0.0e+00;
	s8 =	sadd.s32 $0x1000, s8;
	s10 =	sadd.s32 $0x3000, s0;
	s0 =	simm.s32 $0xC940;
	v1 =	vpop (erf)  }
.LBB2_1:
0x12: {  	[tilespmem:s4], [sflag:$0x1] =	stream.linear.gather [hbm4b:s5+s4], $0x200, $0x38;
	[tilespmem:$0xCA40] =	vst v63  }
0x13: {  	s12 =	simm.s32 $0x200  }
0x14: {  	[tilespmem:s12], [sflag:$0x1] =	stream.linear.gather [hbm4b:s6+s4], $0x200, $0x38;
	[tilespmem:$0xCA40] =	vst v63  }
0x15: {  	s14 =	simm.s32 $0x400  }
0x16: {  	[tilespmem:s14], [sflag:$0x1] =	stream.linear.gather [hbm4b:s7+s4], $0x200, $0x38;
	[tilespmem:$0xCA40] =	vst v63  }
0x17: {  	s13 =	simm.s32 $0x600  }
0x18: {  	[tilespmem:s13], [sflag:$0x1] =	stream.linear.gather [hbm4b:s8+s4], $0x200, $0x38;
	[tilespmem:$0xCA40] =	vst v63  }
0x19: {  	s12 =	simm.s32 $0x0;
	s14 =	rddreg [dreg:$0x1];
	s13 =	simm.s32 $0x100  }
0x1a: {  	[tilespmem:s15], [sflag:$0x1] =	stream.linear.gather [hbm4b:s14+s4], $0x80, $0x38;
	[tilespmem:$0xCA40] =	vst v63  }
.LBB2_2:
0x1b: {  	p0 =	sne.s32 s13, $0x17600;
	[tilespmem:s12+$0x8B0] =	vst v2;
	s14 =	smov.u32 s13;
	s13 =	sadd.s32 $0x100, s13  }
.Ltmp0:
0x1c: {  	[tilespmem:s12+$0x8A0] =	vst v2;
	(pc) =	sbr.rel @p0 .LBB2_2-.Ltmp0, $3  }
0x1d: {  	[tilespmem:s12+$0x880] =	vst v2  }
0x1e: {  	[tilespmem:s12+$0x890] =	vst v2;
	_ =	sdelay $0x1  }
0x1f: {  	s12 =	sshra.s32 s14, $0x2  }
0x20: {  	[tilespmem:s12+$0x8B0] =	vst v2  }
0x21: {  	[tilespmem:s12+$0x8A0] =	vst v2  }
0x22: {  	[tilespmem:s12+$0x880] =	vst v2  }
0x23: {  	[tilespmem:s12+$0x890] =	vst v2  }
0x24: {  	[spmem:s9] =	stream.linear.scatter [tilespmem:s16], [sflag:$0x2], $0x5DC0, $0x38;
	[tilespmem:$0xCA40] =	vst v63  }
0x25: {  	_ =	swait.ge [sflag:s17], $0x200  }
0x26: {  	[sflag:s17] =	ssyncset.done $0x0  }
0x27: {  	[sflag:s17] =	ssyncadd.s32 $0xFFFFFE00  }
0x28: {  	_ =	swait.ge [sflag:s17], $0x200  }
0x29: {  	[sflag:s17] =	ssyncset.done $0x0  }
0x2a: {  	[sflag:s17] =	ssyncadd.s32 $0xFFFFFE00  }
0x2b: {  	_ =	swait.ge [sflag:s17], $0x200  }
0x2c: {  	[sflag:s17] =	ssyncset.done $0x0  }
0x2d: {  	[sflag:s17] =	ssyncadd.s32 $0xFFFFFE00  }
0x2e: {  	_ =	swait.ge [sflag:s17], $0x200  }
0x2f: {  	[sflag:s17] =	ssyncset.done $0x0  }
0x30: {  	[sflag:s17] =	ssyncadd.s32 $0xFFFFFE00  }
0x31: {  	_ =	swait.ge [sflag:s17], $0x80  }
0x32: {  	[sflag:s17] =	ssyncset.done $0x0  }
0x33: {  	s12 =	simm.s32 $0x0;
	[sflag:s17] =	ssyncadd.s32 $0xFFFFFF80  }
0x34: {  	v3 =	vld [tilespmem:s12+$0x600]  }
0x35: {  	v4 =	vld [tilespmem:s12+$0x400];
	_ =	sdelay $0x1  }
0x36: {  	v5 =	vld [tilespmem:s12+$0x200]  }
0x37: {  	v6 =	vld [tilespmem:s12+$0x0]  }
0x38: {  	v3 =	vadd.f32 $5.000000000e+00, v3  }
0x39: {  	v4 =	vadd.f32 $5.000000000e+00, v4  }
0x3a: {  	v3 =	vmul.f32 v3, v1  }
0x3b: {  	v5 =	vadd.f32 $5.000000000e+00, v5;
	v4 =	vmul.f32 v4, v1  }
0x3c: {  	v6 =	vmul.f32 v6, v0;
	v3 =	vmul.f32 $9.900000000e+01, v3  }
0x3d: {  	v5 =	vmul.f32 v5, v1;
	v4 =	vmul.f32 $9.900000000e+01, v4  }
0x3e: {  	v6 =	vmul.f32 $9.990000000e+02, v6;
	v7 =	vadd.f32 $1.258291200e+07, v3  }
0x3f: {  	v5 =	vmul.f32 $9.900000000e+01, v5;
	v8 =	vadd.f32 $1.258291200e+07, v4  }
0x40: {  	v3 =	vadd.f32 $1.258291200e+07, v6;
	v4 =	vadd.f32 $-1.258291200e+07, v7  }
0x41: {  	s13 =	simm.s32 $0x10;
	s14 =	simm.s32 $0x80;
	v5 =	vadd.f32 $1.258291200e+07, v5;
	v6 =	vadd.f32 $-1.258291200e+07, v8  }
.LBB2_4:
0x42: {  	p0 =	sne.s32 s14, $0x1C0;
	v7 =	vld [tilespmem:s13+$0x600];
	v3 =	vadd.f32 $-1.258291200e+07, v3;
	v4 =	vmax.f32 v4, $0.0e+00  }
0x43: {  	v8 =	vld [tilespmem:s13+$0x400];
	v5 =	vadd.f32 $-1.258291200e+07, v5;
	v6 =	vmax.f32 v6, $0.0e+00;
	v4 =	vmin.f32 v4, $9.900000000e+01  }
0x44: {  	v9 =	vld [tilespmem:s13+$0x200];
	v3 =	vmax.f32 v3, $0.0e+00;
	v6 =	vmin.f32 v6, $9.900000000e+01;
	v4 =	vtrunc.f32 v4  }
0x45: {  	v3 =	vmin.f32 v3, $9.990000000e+02;
	v5 =	vmax.f32 v5, $0.0e+00;
	v4 =	vcvt.f32.s32 v4  }
0x46: {  	v6 =	vtrunc.f32 v6;
	v10 =	vld [tilespmem:s13+$0x0];
	v3 =	vtrunc.f32 v3;
	v5 =	vmin.f32 v5, $9.900000000e+01  }
0x47: {  	v7 =	vadd.f32 $5.000000000e+00, v7;
	v11 =	vcvt.f32.s32 v3;
	v3 =	vmul.u32 $0x3E8, v4  }
0x48: {  	v6 =	vcvt.f32.s32 v6;
	v5 =	vtrunc.f32 v5;
	v4 =	vadd.f32 $5.000000000e+00, v8  }
0x49: {  	v8 =	vadd.f32 $5.000000000e+00, v9;
	v7 =	vmul.f32 v7, v1;
	v3 =	vadd.s32 v3, v11  }
0x4a: {  	v5 =	vcvt.f32.s32 v5;
	v4 =	vmul.f32 v4, v1;
	v3 =	vadd.s32 $0x3E800, v3  }
0x4b: {  	v6 =	vmul.u32 $0x3E8, v6;
	v9 =	vmul.f32 v10, v0;
	v7 =	vmul.f32 $9.900000000e+01, v7;
	[tilespmem:s12+$0xC540] =	vst v3  }
.Ltmp1:
0x4c: {  	v5 =	vmul.u32 $0x3E8, v5;
	v3 =	vmul.f32 v8, v1;
	v4 =	vmul.f32 $9.900000000e+01, v4;
	(pc) =	sbr.rel @p0 .LBB2_4-.Ltmp1, $4  }
0x4d: {  	v6 =	vadd.s32 v6, v11;
	v8 =	vmul.f32 $9.990000000e+02, v9;
	v7 =	vadd.f32 $1.258291200e+07, v7  }
0x4e: {  	v6 =	vadd.s32 $0x1F400, v6;
	v9 =	vmul.f32 $9.900000000e+01, v3;
	v10 =	vadd.f32 $1.258291200e+07, v4  }
0x4f: {  	v3 =	vadd.f32 $1.258291200e+07, v8;
	v4 =	vadd.f32 $-1.258291200e+07, v7;
	v7 =	vadd.s32 v11, v5;
	[tilespmem:s12+$0xC4C0] =	vst v6  }
0x50: {  	v5 =	vadd.f32 $1.258291200e+07, v9;
	v6 =	vadd.f32 $-1.258291200e+07, v10;
	[tilespmem:s12+$0xC440] =	vst v7;
	s12 =	smov.u32 s13;
	s13 =	sshra.s32 s14, $0x2;
	s14 =	sadd.s32 $0x40, s14  }
0x51: {  	v7 =	vld [tilespmem:s13+$0x600]  }
0x52: {  	v3 =	vadd.f32 $-1.258291200e+07, v3;
	v4 =	vmax.f32 v4, $0.0e+00;
	v8 =	vld [tilespmem:s13+$0x400]  }
0x53: {  	v9 =	vld [tilespmem:s13+$0x200];
	v5 =	vadd.f32 $-1.258291200e+07, v5;
	v4 =	vmin.f32 v4, $9.900000000e+01  }
0x54: {  	v10 =	vld [tilespmem:s13+$0x0];
	v6 =	vmax.f32 v6, $0.0e+00;
	v3 =	vmax.f32 v3, $0.0e+00;
	v4 =	vtrunc.f32 v4  }
0x55: {  	v6 =	vmin.f32 v6, $9.900000000e+01;
	v3 =	vmin.f32 v3, $9.990000000e+02;
	v4 =	vcvt.f32.s32 v4  }
0x56: {  	v5 =	vmax.f32 v5, $0.0e+00;
	v6 =	vtrunc.f32 v6;
	v3 =	vtrunc.f32 v3  }
0x57: {  	v5 =	vmin.f32 v5, $9.900000000e+01;
	v6 =	vcvt.f32.s32 v6;
	v7 =	vadd.f32 $5.000000000e+00, v7  }
0x58: {  	v3 =	vcvt.f32.s32 v3;
	v8 =	vadd.f32 $5.000000000e+00, v8;
	v5 =	vtrunc.f32 v5  }
0x59: {  	v9 =	vadd.f32 $5.000000000e+00, v9;
	v10 =	vmul.f32 v10, v0;
	v7 =	vmul.f32 v7, v1  }
0x5a: {  	v5 =	vcvt.f32.s32 v5;
	v8 =	vmul.f32 v8, v1  }
0x5b: {  	v9 =	vmul.f32 v9, v1;
	v7 =	vmul.f32 $9.900000000e+01, v7  }
0x5c: {  	v4 =	vmul.u32 $0x3E8, v4;
	v10 =	vmul.f32 $9.990000000e+02, v10;
	v8 =	vmul.f32 $9.900000000e+01, v8  }
0x5d: {  	v6 =	vmul.u32 $0x3E8, v6;
	v9 =	vmul.f32 $9.900000000e+01, v9;
	v7 =	vadd.f32 $1.258291200e+07, v7  }
0x5e: {  	v4 =	vadd.s32 v4, v3;
	v10 =	vadd.f32 $1.258291200e+07, v10;
	v8 =	vadd.f32 $1.258291200e+07, v8  }
0x5f: {  	v4 =	vadd.s32 $0x3E800, v4;
	v9 =	vadd.f32 $1.258291200e+07, v9;
	v7 =	vadd.f32 $-1.258291200e+07, v7  }
0x60: {  	v5 =	vmul.u32 $0x3E8, v5;
	v10 =	vadd.f32 $-1.258291200e+07, v10;
	v8 =	vadd.f32 $-1.258291200e+07, v8  }
0x61: {  	v6 =	vadd.s32 v6, v3;
	v9 =	vadd.f32 $-1.258291200e+07, v9;
	v7 =	vmax.f32 v7, $0.0e+00  }
0x62: {  	v10 =	vmax.f32 v10, $0.0e+00;
	v8 =	vmax.f32 v8, $0.0e+00;
	v7 =	vmin.f32 v7, $9.900000000e+01  }
0x63: {  	v10 =	vmin.f32 v10, $9.990000000e+02;
	v8 =	vmin.f32 v8, $9.900000000e+01;
	v7 =	vtrunc.f32 v7  }
0x64: {  	v9 =	vmax.f32 v9, $0.0e+00;
	v8 =	vtrunc.f32 v8;
	v7 =	vcvt.f32.s32 v7  }
0x65: {  	v10 =	vtrunc.f32 v10;
	v9 =	vmin.f32 v9, $9.900000000e+01;
	v8 =	vcvt.f32.s32 v8  }
0x66: {  	v10 =	vcvt.f32.s32 v10;
	v9 =	vtrunc.f32 v9;
	v7 =	vmul.u32 $0x3E8, v7  }
0x67: {  	[tilespmem:s12+$0xC540] =	vst v4;
	v4 =	vadd.s32 $0x1F400, v6;
	v6 =	vcvt.f32.s32 v9;
	v8 =	vmul.u32 $0x3E8, v8  }
0x68: {  	v3 =	vadd.s32 v3, v5;
	[tilespmem:s12+$0xC4C0] =	vst v4;
	v4 =	vadd.s32 v7, v10  }
0x69: {  	[tilespmem:s12+$0xC440] =	vst v3;
	v5 =	vadd.s32 v8, v10;
	v3 =	vadd.s32 $0x3E800, v4;
	v4 =	vmul.u32 $0x3E8, v6  }
0x6a: {  	[tilespmem:s13+$0xC540] =	vst v3;
	v3 =	vadd.s32 $0x1F400, v5  }
0x6b: {  	v4 =	vadd.s32 v10, v4;
	[tilespmem:s13+$0xC4C0] =	vst v3  }
0x6c: {  	s12 =	simm.s32 $0x80;
	[tilespmem:s13+$0xC440] =	vst v4  }
0x6d: {  	v3 =	vld [tilespmem:s12+$0x600]  }
0x6e: {  	v4 =	vld [tilespmem:s12+$0x400];
	_ =	sdelay $0x1  }
0x6f: {  	v5 =	vld [tilespmem:s12+$0x200]  }
0x70: {  	v6 =	vld [tilespmem:s12+$0x0]  }
0x71: {  	v3 =	vadd.f32 $5.000000000e+00, v3  }
0x72: {  	v4 =	vadd.f32 $5.000000000e+00, v4  }
0x73: {  	v3 =	vmul.f32 v3, v1  }
0x74: {  	v5 =	vadd.f32 $5.000000000e+00, v5;
	v4 =	vmul.f32 v4, v1  }
0x75: {  	v6 =	vmul.f32 v6, v0;
	v3 =	vmul.f32 $9.900000000e+01, v3  }
0x76: {  	v5 =	vmul.f32 v5, v1;
	v4 =	vmul.f32 $9.900000000e+01, v4  }
0x77: {  	v6 =	vmul.f32 $9.990000000e+02, v6;
	v7 =	vadd.f32 $1.258291200e+07, v3  }
0x78: {  	v5 =	vmul.f32 $9.900000000e+01, v5;
	v8 =	vadd.f32 $1.258291200e+07, v4  }
0x79: {  	v3 =	vadd.f32 $1.258291200e+07, v6;
	v4 =	vadd.f32 $-1.258291200e+07, v7  }
0x7a: {  	s14 =	simm.s32 $0x280;
	s13 =	simm.s32 $0x90;
	v5 =	vadd.f32 $1.258291200e+07, v5;
	v6 =	vadd.f32 $-1.258291200e+07, v8  }
.LBB2_6:
0x7b: {  	p0 =	sne.s32 s14, $0x3C0;
	v7 =	vld [tilespmem:s13+$0x600];
	v3 =	vadd.f32 $-1.258291200e+07, v3;
	v4 =	vmax.f32 v4, $0.0e+00  }
0x7c: {  	v8 =	vld [tilespmem:s13+$0x400];
	v5 =	vadd.f32 $-1.258291200e+07, v5;
	v6 =	vmax.f32 v6, $0.0e+00;
	v4 =	vmin.f32 v4, $9.900000000e+01  }
0x7d: {  	v9 =	vld [tilespmem:s13+$0x200];
	v3 =	vmax.f32 v3, $0.0e+00;
	v6 =	vmin.f32 v6, $9.900000000e+01;
	v4 =	vtrunc.f32 v4  }
0x7e: {  	v3 =	vmin.f32 v3, $9.990000000e+02;
	v5 =	vmax.f32 v5, $0.0e+00;
	v4 =	vcvt.f32.s32 v4  }
0x7f: {  	v6 =	vtrunc.f32 v6;
	v10 =	vld [tilespmem:s13+$0x0];
	v3 =	vtrunc.f32 v3;
	v5 =	vmin.f32 v5, $9.900000000e+01  }
0x80: {  	v7 =	vadd.f32 $5.000000000e+00, v7;
	v11 =	vcvt.f32.s32 v3;
	v3 =	vmul.u32 $0x3E8, v4  }
0x81: {  	v6 =	vcvt.f32.s32 v6;
	v5 =	vtrunc.f32 v5;
	v4 =	vadd.f32 $5.000000000e+00, v8  }
0x82: {  	v8 =	vadd.f32 $5.000000000e+00, v9;
	v7 =	vmul.f32 v7, v1;
	v3 =	vadd.s32 v3, v11  }
0x83: {  	v5 =	vcvt.f32.s32 v5;
	v4 =	vmul.f32 v4, v1;
	v3 =	vadd.s32 $0x3E800, v3  }
0x84: {  	v6 =	vmul.u32 $0x3E8, v6;
	v9 =	vmul.f32 v10, v0;
	v7 =	vmul.f32 $9.900000000e+01, v7;
	[tilespmem:s12+$0xC640] =	vst v3  }
.Ltmp2:
0x85: {  	v5 =	vmul.u32 $0x3E8, v5;
	v3 =	vmul.f32 v8, v1;
	v4 =	vmul.f32 $9.900000000e+01, v4;
	(pc) =	sbr.rel @p0 .LBB2_6-.Ltmp2, $4  }
0x86: {  	v6 =	vadd.s32 v6, v11;
	v8 =	vmul.f32 $9.990000000e+02, v9;
	v7 =	vadd.f32 $1.258291200e+07, v7  }
0x87: {  	v6 =	vadd.s32 $0x1F400, v6;
	v9 =	vmul.f32 $9.900000000e+01, v3;
	v10 =	vadd.f32 $1.258291200e+07, v4  }
0x88: {  	v3 =	vadd.f32 $1.258291200e+07, v8;
	v4 =	vadd.f32 $-1.258291200e+07, v7;
	v7 =	vadd.s32 v11, v5;
	[tilespmem:s12+$0xC5C0] =	vst v6  }
0x89: {  	v5 =	vadd.f32 $1.258291200e+07, v9;
	v6 =	vadd.f32 $-1.258291200e+07, v10;
	[tilespmem:s12+$0xC540] =	vst v7;
	s12 =	smov.u32 s13;
	s13 =	sshra.s32 s14, $0x2;
	s14 =	sadd.s32 $0x40, s14  }
0x8a: {  	v7 =	vld [tilespmem:s13+$0x600]  }
0x8b: {  	v3 =	vadd.f32 $-1.258291200e+07, v3;
	v4 =	vmax.f32 v4, $0.0e+00;
	v8 =	vld [tilespmem:s13+$0x400]  }
0x8c: {  	v9 =	vld [tilespmem:s13+$0x200];
	v5 =	vadd.f32 $-1.258291200e+07, v5;
	v4 =	vmin.f32 v4, $9.900000000e+01  }
0x8d: {  	v10 =	vld [tilespmem:s13+$0x0];
	v6 =	vmax.f32 v6, $0.0e+00;
	v3 =	vmax.f32 v3, $0.0e+00;
	v4 =	vtrunc.f32 v4  }
0x8e: {  	v6 =	vmin.f32 v6, $9.900000000e+01;
	v3 =	vmin.f32 v3, $9.990000000e+02;
	v4 =	vcvt.f32.s32 v4  }
0x8f: {  	v5 =	vmax.f32 v5, $0.0e+00;
	v6 =	vtrunc.f32 v6;
	v3 =	vtrunc.f32 v3  }
0x90: {  	v5 =	vmin.f32 v5, $9.900000000e+01;
	v6 =	vcvt.f32.s32 v6;
	v7 =	vadd.f32 $5.000000000e+00, v7  }
0x91: {  	v3 =	vcvt.f32.s32 v3;
	v8 =	vadd.f32 $5.000000000e+00, v8;
	v5 =	vtrunc.f32 v5  }
0x92: {  	v9 =	vadd.f32 $5.000000000e+00, v9;
	v10 =	vmul.f32 v10, v0;
	v7 =	vmul.f32 v7, v1  }
0x93: {  	v5 =	vcvt.f32.s32 v5;
	v8 =	vmul.f32 v8, v1  }
0x94: {  	v9 =	vmul.f32 v9, v1;
	v7 =	vmul.f32 $9.900000000e+01, v7  }
0x95: {  	v4 =	vmul.u32 $0x3E8, v4;
	v10 =	vmul.f32 $9.990000000e+02, v10;
	v8 =	vmul.f32 $9.900000000e+01, v8  }
0x96: {  	v6 =	vmul.u32 $0x3E8, v6;
	v9 =	vmul.f32 $9.900000000e+01, v9;
	v7 =	vadd.f32 $1.258291200e+07, v7  }
0x97: {  	v4 =	vadd.s32 v4, v3;
	v10 =	vadd.f32 $1.258291200e+07, v10;
	v8 =	vadd.f32 $1.258291200e+07, v8  }
0x98: {  	v4 =	vadd.s32 $0x3E800, v4;
	v9 =	vadd.f32 $1.258291200e+07, v9;
	v7 =	vadd.f32 $-1.258291200e+07, v7  }
0x99: {  	v5 =	vmul.u32 $0x3E8, v5;
	v10 =	vadd.f32 $-1.258291200e+07, v10;
	v8 =	vadd.f32 $-1.258291200e+07, v8  }
0x9a: {  	v6 =	vadd.s32 v6, v3;
	v9 =	vadd.f32 $-1.258291200e+07, v9;
	v7 =	vmax.f32 v7, $0.0e+00  }
0x9b: {  	v10 =	vmax.f32 v10, $0.0e+00;
	v8 =	vmax.f32 v8, $0.0e+00;
	v7 =	vmin.f32 v7, $9.900000000e+01  }
0x9c: {  	v10 =	vmin.f32 v10, $9.990000000e+02;
	v8 =	vmin.f32 v8, $9.900000000e+01;
	v7 =	vtrunc.f32 v7  }
0x9d: {  	v9 =	vmax.f32 v9, $0.0e+00;
	v8 =	vtrunc.f32 v8;
	v7 =	vcvt.f32.s32 v7  }
0x9e: {  	v10 =	vtrunc.f32 v10;
	v9 =	vmin.f32 v9, $9.900000000e+01;
	v8 =	vcvt.f32.s32 v8  }
0x9f: {  	v10 =	vcvt.f32.s32 v10;
	v9 =	vtrunc.f32 v9;
	v7 =	vmul.u32 $0x3E8, v7  }
0xa0: {  	[tilespmem:s12+$0xC640] =	vst v4;
	v4 =	vadd.s32 $0x1F400, v6;
	v6 =	vcvt.f32.s32 v9;
	v8 =	vmul.u32 $0x3E8, v8  }
0xa1: {  	v3 =	vadd.s32 v3, v5;
	[tilespmem:s12+$0xC5C0] =	vst v4;
	v4 =	vadd.s32 v7, v10  }
0xa2: {  	[tilespmem:s12+$0xC540] =	vst v3;
	v5 =	vadd.s32 v8, v10;
	v3 =	vadd.s32 $0x3E800, v4;
	v4 =	vmul.u32 $0x3E8, v6  }
0xa3: {  	[tilespmem:s13+$0xC640] =	vst v3;
	v3 =	vadd.s32 $0x1F400, v5  }
0xa4: {  	v4 =	vadd.s32 v10, v4;
	[tilespmem:s13+$0xC5C0] =	vst v3  }
0xa5: {  	s12 =	simm.s32 $0x100;
	[tilespmem:s13+$0xC540] =	vst v4  }
0xa6: {  	v3 =	vld [tilespmem:s12+$0x600]  }
0xa7: {  	v4 =	vld [tilespmem:s12+$0x400];
	_ =	sdelay $0x1  }
0xa8: {  	v5 =	vld [tilespmem:s12+$0x200]  }
0xa9: {  	v6 =	vld [tilespmem:s12+$0x0]  }
0xaa: {  	v3 =	vadd.f32 $5.000000000e+00, v3  }
0xab: {  	v4 =	vadd.f32 $5.000000000e+00, v4  }
0xac: {  	v3 =	vmul.f32 v3, v1  }
0xad: {  	v5 =	vadd.f32 $5.000000000e+00, v5;
	v4 =	vmul.f32 v4, v1  }
0xae: {  	v6 =	vmul.f32 v6, v0;
	v3 =	vmul.f32 $9.900000000e+01, v3  }
0xaf: {  	v5 =	vmul.f32 v5, v1;
	v4 =	vmul.f32 $9.900000000e+01, v4  }
0xb0: {  	v6 =	vmul.f32 $9.990000000e+02, v6;
	v7 =	vadd.f32 $1.258291200e+07, v3  }
0xb1: {  	v5 =	vmul.f32 $9.900000000e+01, v5;
	v8 =	vadd.f32 $1.258291200e+07, v4  }
0xb2: {  	v3 =	vadd.f32 $1.258291200e+07, v6;
	v4 =	vadd.f32 $-1.258291200e+07, v7  }
0xb3: {  	s14 =	simm.s32 $0x480;
	s13 =	simm.s32 $0x110;
	v5 =	vadd.f32 $1.258291200e+07, v5;
	v6 =	vadd.f32 $-1.258291200e+07, v8  }
.LBB2_8:
0xb4: {  	p0 =	sne.s32 s14, $0x5C0;
	v7 =	vld [tilespmem:s13+$0x600];
	v3 =	vadd.f32 $-1.258291200e+07, v3;
	v4 =	vmax.f32 v4, $0.0e+00  }
0xb5: {  	v8 =	vld [tilespmem:s13+$0x400];
	v5 =	vadd.f32 $-1.258291200e+07, v5;
	v6 =	vmax.f32 v6, $0.0e+00;
	v4 =	vmin.f32 v4, $9.900000000e+01  }
0xb6: {  	v9 =	vld [tilespmem:s13+$0x200];
	v3 =	vmax.f32 v3, $0.0e+00;
	v6 =	vmin.f32 v6, $9.900000000e+01;
	v4 =	vtrunc.f32 v4  }
0xb7: {  	v3 =	vmin.f32 v3, $9.990000000e+02;
	v5 =	vmax.f32 v5, $0.0e+00;
	v4 =	vcvt.f32.s32 v4  }
0xb8: {  	v6 =	vtrunc.f32 v6;
	v10 =	vld [tilespmem:s13+$0x0];
	v3 =	vtrunc.f32 v3;
	v5 =	vmin.f32 v5, $9.900000000e+01  }
0xb9: {  	v7 =	vadd.f32 $5.000000000e+00, v7;
	v11 =	vcvt.f32.s32 v3;
	v3 =	vmul.u32 $0x3E8, v4  }
0xba: {  	v6 =	vcvt.f32.s32 v6;
	v5 =	vtrunc.f32 v5;
	v4 =	vadd.f32 $5.000000000e+00, v8  }
0xbb: {  	v8 =	vadd.f32 $5.000000000e+00, v9;
	v7 =	vmul.f32 v7, v1;
	v3 =	vadd.s32 v3, v11  }
0xbc: {  	v5 =	vcvt.f32.s32 v5;
	v4 =	vmul.f32 v4, v1;
	v3 =	vadd.s32 $0x3E800, v3  }
0xbd: {  	v6 =	vmul.u32 $0x3E8, v6;
	v9 =	vmul.f32 v10, v0;
	v7 =	vmul.f32 $9.900000000e+01, v7;
	[tilespmem:s12+$0xC740] =	vst v3  }
.Ltmp3:
0xbe: {  	v5 =	vmul.u32 $0x3E8, v5;
	v3 =	vmul.f32 v8, v1;
	v4 =	vmul.f32 $9.900000000e+01, v4;
	(pc) =	sbr.rel @p0 .LBB2_8-.Ltmp3, $4  }
0xbf: {  	v6 =	vadd.s32 v6, v11;
	v8 =	vmul.f32 $9.990000000e+02, v9;
	v7 =	vadd.f32 $1.258291200e+07, v7  }
0xc0: {  	v6 =	vadd.s32 $0x1F400, v6;
	v9 =	vmul.f32 $9.900000000e+01, v3;
	v10 =	vadd.f32 $1.258291200e+07, v4  }
0xc1: {  	v3 =	vadd.f32 $1.258291200e+07, v8;
	v4 =	vadd.f32 $-1.258291200e+07, v7;
	v7 =	vadd.s32 v11, v5;
	[tilespmem:s12+$0xC6C0] =	vst v6  }
0xc2: {  	v5 =	vadd.f32 $1.258291200e+07, v9;
	v6 =	vadd.f32 $-1.258291200e+07, v10;
	[tilespmem:s12+$0xC640] =	vst v7;
	s12 =	smov.u32 s13;
	s13 =	sshra.s32 s14, $0x2;
	s14 =	sadd.s32 $0x40, s14  }
0xc3: {  	v7 =	vld [tilespmem:s13+$0x600]  }
0xc4: {  	v3 =	vadd.f32 $-1.258291200e+07, v3;
	v4 =	vmax.f32 v4, $0.0e+00;
	v8 =	vld [tilespmem:s13+$0x400]  }
0xc5: {  	v9 =	vld [tilespmem:s13+$0x200];
	v5 =	vadd.f32 $-1.258291200e+07, v5;
	v4 =	vmin.f32 v4, $9.900000000e+01  }
0xc6: {  	v10 =	vld [tilespmem:s13+$0x0];
	v6 =	vmax.f32 v6, $0.0e+00;
	v3 =	vmax.f32 v3, $0.0e+00;
	v4 =	vtrunc.f32 v4  }
0xc7: {  	v6 =	vmin.f32 v6, $9.900000000e+01;
	v3 =	vmin.f32 v3, $9.990000000e+02;
	v4 =	vcvt.f32.s32 v4  }
0xc8: {  	v5 =	vmax.f32 v5, $0.0e+00;
	v6 =	vtrunc.f32 v6;
	v3 =	vtrunc.f32 v3  }
0xc9: {  	v5 =	vmin.f32 v5, $9.900000000e+01;
	v6 =	vcvt.f32.s32 v6;
	v7 =	vadd.f32 $5.000000000e+00, v7  }
0xca: {  	v3 =	vcvt.f32.s32 v3;
	v8 =	vadd.f32 $5.000000000e+00, v8;
	v5 =	vtrunc.f32 v5  }
0xcb: {  	v9 =	vadd.f32 $5.000000000e+00, v9;
	v10 =	vmul.f32 v10, v0;
	v7 =	vmul.f32 v7, v1  }
0xcc: {  	v5 =	vcvt.f32.s32 v5;
	v8 =	vmul.f32 v8, v1  }
0xcd: {  	v9 =	vmul.f32 v9, v1;
	v7 =	vmul.f32 $9.900000000e+01, v7  }
0xce: {  	v4 =	vmul.u32 $0x3E8, v4;
	v10 =	vmul.f32 $9.990000000e+02, v10;
	v8 =	vmul.f32 $9.900000000e+01, v8  }
0xcf: {  	v6 =	vmul.u32 $0x3E8, v6;
	v9 =	vmul.f32 $9.900000000e+01, v9;
	v7 =	vadd.f32 $1.258291200e+07, v7  }
0xd0: {  	v4 =	vadd.s32 v4, v3;
	v10 =	vadd.f32 $1.258291200e+07, v10;
	v8 =	vadd.f32 $1.258291200e+07, v8  }
0xd1: {  	v4 =	vadd.s32 $0x3E800, v4;
	v9 =	vadd.f32 $1.258291200e+07, v9;
	v7 =	vadd.f32 $-1.258291200e+07, v7  }
0xd2: {  	v5 =	vmul.u32 $0x3E8, v5;
	v10 =	vadd.f32 $-1.258291200e+07, v10;
	v8 =	vadd.f32 $-1.258291200e+07, v8  }
0xd3: {  	v6 =	vadd.s32 v6, v3;
	v9 =	vadd.f32 $-1.258291200e+07, v9;
	v7 =	vmax.f32 v7, $0.0e+00  }
0xd4: {  	v10 =	vmax.f32 v10, $0.0e+00;
	v8 =	vmax.f32 v8, $0.0e+00;
	v7 =	vmin.f32 v7, $9.900000000e+01  }
0xd5: {  	v10 =	vmin.f32 v10, $9.990000000e+02;
	v8 =	vmin.f32 v8, $9.900000000e+01;
	v7 =	vtrunc.f32 v7  }
0xd6: {  	v9 =	vmax.f32 v9, $0.0e+00;
	v8 =	vtrunc.f32 v8;
	v7 =	vcvt.f32.s32 v7  }
0xd7: {  	v10 =	vtrunc.f32 v10;
	v9 =	vmin.f32 v9, $9.900000000e+01;
	v8 =	vcvt.f32.s32 v8  }
0xd8: {  	v10 =	vcvt.f32.s32 v10;
	v9 =	vtrunc.f32 v9;
	v7 =	vmul.u32 $0x3E8, v7  }
0xd9: {  	[tilespmem:s12+$0xC740] =	vst v4;
	v4 =	vadd.s32 $0x1F400, v6;
	v6 =	vcvt.f32.s32 v9;
	v8 =	vmul.u32 $0x3E8, v8  }
0xda: {  	v3 =	vadd.s32 v3, v5;
	[tilespmem:s12+$0xC6C0] =	vst v4;
	v4 =	vadd.s32 v7, v10  }
0xdb: {  	[tilespmem:s12+$0xC640] =	vst v3;
	v5 =	vadd.s32 v8, v10;
	v3 =	vadd.s32 $0x3E800, v4;
	v4 =	vmul.u32 $0x3E8, v6  }
0xdc: {  	[tilespmem:s13+$0xC740] =	vst v3;
	v3 =	vadd.s32 $0x1F400, v5  }
0xdd: {  	v4 =	vadd.s32 v10, v4;
	[tilespmem:s13+$0xC6C0] =	vst v3  }
0xde: {  	s12 =	simm.s32 $0x180;
	[tilespmem:s13+$0xC640] =	vst v4  }
0xdf: {  	v3 =	vld [tilespmem:s12+$0x600]  }
0xe0: {  	v4 =	vld [tilespmem:s12+$0x400];
	_ =	sdelay $0x1  }
0xe1: {  	v5 =	vld [tilespmem:s12+$0x200]  }
0xe2: {  	v6 =	vld [tilespmem:s12+$0x0]  }
0xe3: {  	v3 =	vadd.f32 $5.000000000e+00, v3  }
0xe4: {  	v4 =	vadd.f32 $5.000000000e+00, v4  }
0xe5: {  	v3 =	vmul.f32 v3, v1  }
0xe6: {  	v5 =	vadd.f32 $5.000000000e+00, v5;
	v4 =	vmul.f32 v4, v1  }
0xe7: {  	v6 =	vmul.f32 v6, v0;
	v3 =	vmul.f32 $9.900000000e+01, v3  }
0xe8: {  	v5 =	vmul.f32 v5, v1;
	v4 =	vmul.f32 $9.900000000e+01, v4  }
0xe9: {  	v6 =	vmul.f32 $9.990000000e+02, v6;
	v7 =	vadd.f32 $1.258291200e+07, v3  }
0xea: {  	v5 =	vmul.f32 $9.900000000e+01, v5;
	v8 =	vadd.f32 $1.258291200e+07, v4  }
0xeb: {  	v3 =	vadd.f32 $1.258291200e+07, v6;
	v4 =	vadd.f32 $-1.258291200e+07, v7  }
0xec: {  	s14 =	simm.s32 $0x680;
	s13 =	simm.s32 $0x190;
	v5 =	vadd.f32 $1.258291200e+07, v5;
	v6 =	vadd.f32 $-1.258291200e+07, v8  }
.LBB2_10:
0xed: {  	p0 =	sne.s32 s14, $0x7C0;
	v7 =	vld [tilespmem:s13+$0x600];
	v3 =	vadd.f32 $-1.258291200e+07, v3;
	v4 =	vmax.f32 v4, $0.0e+00  }
0xee: {  	v8 =	vld [tilespmem:s13+$0x400];
	v5 =	vadd.f32 $-1.258291200e+07, v5;
	v6 =	vmax.f32 v6, $0.0e+00;
	v4 =	vmin.f32 v4, $9.900000000e+01  }
0xef: {  	v9 =	vld [tilespmem:s13+$0x200];
	v3 =	vmax.f32 v3, $0.0e+00;
	v6 =	vmin.f32 v6, $9.900000000e+01;
	v4 =	vtrunc.f32 v4  }
0xf0: {  	v3 =	vmin.f32 v3, $9.990000000e+02;
	v5 =	vmax.f32 v5, $0.0e+00;
	v4 =	vcvt.f32.s32 v4  }
0xf1: {  	v6 =	vtrunc.f32 v6;
	v10 =	vld [tilespmem:s13+$0x0];
	v3 =	vtrunc.f32 v3;
	v5 =	vmin.f32 v5, $9.900000000e+01  }
0xf2: {  	v7 =	vadd.f32 $5.000000000e+00, v7;
	v11 =	vcvt.f32.s32 v3;
	v3 =	vmul.u32 $0x3E8, v4  }
0xf3: {  	v6 =	vcvt.f32.s32 v6;
	v5 =	vtrunc.f32 v5;
	v4 =	vadd.f32 $5.000000000e+00, v8  }
0xf4: {  	v8 =	vadd.f32 $5.000000000e+00, v9;
	v7 =	vmul.f32 v7, v1;
	v3 =	vadd.s32 v3, v11  }
0xf5: {  	v5 =	vcvt.f32.s32 v5;
	v4 =	vmul.f32 v4, v1;
	v3 =	vadd.s32 $0x3E800, v3  }
0xf6: {  	v6 =	vmul.u32 $0x3E8, v6;
	v9 =	vmul.f32 v10, v0;
	v7 =	vmul.f32 $9.900000000e+01, v7;
	[tilespmem:s12+$0xC840] =	vst v3  }
.Ltmp4:
0xf7: {  	v5 =	vmul.u32 $0x3E8, v5;
	v3 =	vmul.f32 v8, v1;
	v4 =	vmul.f32 $9.900000000e+01, v4;
	(pc) =	sbr.rel @p0 .LBB2_10-.Ltmp4, $4  }
0xf8: {  	v6 =	vadd.s32 v6, v11;
	v8 =	vmul.f32 $9.990000000e+02, v9;
	v7 =	vadd.f32 $1.258291200e+07, v7  }
0xf9: {  	v6 =	vadd.s32 $0x1F400, v6;
	v9 =	vmul.f32 $9.900000000e+01, v3;
	v10 =	vadd.f32 $1.258291200e+07, v4  }
0xfa: {  	v3 =	vadd.f32 $1.258291200e+07, v8;
	v4 =	vadd.f32 $-1.258291200e+07, v7;
	v7 =	vadd.s32 v11, v5;
	[tilespmem:s12+$0xC7C0] =	vst v6  }
0xfb: {  	v5 =	vadd.f32 $1.258291200e+07, v9;
	v6 =	vadd.f32 $-1.258291200e+07, v10;
	[tilespmem:s12+$0xC740] =	vst v7;
	s12 =	smov.u32 s13;
	s13 =	sshra.s32 s14, $0x2;
	s14 =	sadd.s32 $0x40, s14  }
0xfc: {  	v7 =	vld [tilespmem:s13+$0x600]  }
0xfd: {  	v3 =	vadd.f32 $-1.258291200e+07, v3;
	v4 =	vmax.f32 v4, $0.0e+00;
	v8 =	vld [tilespmem:s13+$0x400]  }
0xfe: {  	v9 =	vld [tilespmem:s13+$0x200];
	v5 =	vadd.f32 $-1.258291200e+07, v5;
	v6 =	vmax.f32 v6, $0.0e+00;
	v4 =	vmin.f32 v4, $9.900000000e+01  }
0xff: {  	v10 =	vld [tilespmem:s13+$0x0];
	v3 =	vmax.f32 v3, $0.0e+00;
	v6 =	vmin.f32 v6, $9.900000000e+01;
	v4 =	vtrunc.f32 v4  }
0x100: {  	v3 =	vmin.f32 v3, $9.990000000e+02;
	v5 =	vmax.f32 v5, $0.0e+00;
	v4 =	vcvt.f32.s32 v4  }
0x101: {  	v6 =	vtrunc.f32 v6;
	v3 =	vtrunc.f32 v3;
	v5 =	vmin.f32 v5, $9.900000000e+01  }
0x102: {  	v6 =	vcvt.f32.s32 v6;
	v7 =	vadd.f32 $5.000000000e+00, v7;
	v3 =	vcvt.f32.s32 v3  }
0x103: {  	v8 =	vadd.f32 $5.000000000e+00, v8;
	v5 =	vtrunc.f32 v5;
	v9 =	vadd.f32 $5.000000000e+00, v9  }
0x104: {  	v10 =	vmul.f32 v10, v0;
	v7 =	vmul.f32 v7, v1  }
0x105: {  	v8 =	vmul.f32 v8, v1;
	v9 =	vmul.f32 v9, v1  }
0x106: {  	v5 =	vcvt.f32.s32 v5;
	v7 =	vmul.f32 $9.900000000e+01, v7  }
0x107: {  	v4 =	vmul.u32 $0x3E8, v4;
	v8 =	vmul.f32 $9.900000000e+01, v8;
	v9 =	vmul.f32 $9.900000000e+01, v9  }
0x108: {  	v6 =	vmul.u32 $0x3E8, v6;
	v10 =	vmul.f32 $9.990000000e+02, v10;
	v7 =	vadd.f32 $1.258291200e+07, v7  }
0x109: {  	v4 =	vadd.s32 v4, v3;
	v8 =	vadd.f32 $1.258291200e+07, v8;
	v9 =	vadd.f32 $1.258291200e+07, v9  }
0x10a: {  	v4 =	vadd.s32 $0x3E800, v4;
	v10 =	vadd.f32 $1.258291200e+07, v10;
	v7 =	vadd.f32 $-1.258291200e+07, v7  }
0x10b: {  	v5 =	vmul.u32 $0x3E8, v5;
	v8 =	vadd.f32 $-1.258291200e+07, v8;
	v9 =	vadd.f32 $-1.258291200e+07, v9  }
0x10c: {  	v6 =	vadd.s32 v6, v3;
	v10 =	vadd.f32 $-1.258291200e+07, v10;
	v7 =	vmax.f32 v7, $0.0e+00  }
0x10d: {  	v8 =	vmax.f32 v8, $0.0e+00;
	v9 =	vmax.f32 v9, $0.0e+00;
	v7 =	vmin.f32 v7, $9.900000000e+01  }
0x10e: {  	v8 =	vmin.f32 v8, $9.900000000e+01;
	v9 =	vmin.f32 v9, $9.900000000e+01;
	v7 =	vtrunc.f32 v7  }
0x10f: {  	v10 =	vmax.f32 v10, $0.0e+00;
	v8 =	vtrunc.f32 v8;
	v9 =	vtrunc.f32 v9  }
0x110: {  	v10 =	vmin.f32 v10, $9.990000000e+02;
	v7 =	vcvt.f32.s32 v7;
	v60 =	vcvt.f32.s32 v9  }
0x111: {  	v59 =	vadd.s32 $0x1F400, v6;
	v10 =	vtrunc.f32 v10;
	v8 =	vcvt.f32.s32 v8  }
0x112: {  	[tilespmem:s12+$0xC840] =	vst v4;
	v10 =	vcvt.f32.s32 v10;
	v7 =	vmul.u32 $0x3E8, v7;
	v62 =	vmul.u32 $0x3E8, v60  }
0x113: {  	v3 =	vadd.s32 v3, v5;
	[tilespmem:s12+$0xC7C0] =	vst v59;
	v8 =	vmul.u32 $0x3E8, v8  }
0x114: {  	[tilespmem:s12+$0xC740] =	vst v3;
	v61 =	vadd.s32 v7, v10;
	v4 =	vadd.s32 v10, v62  }
0x115: {  	v63 =	vadd.s32 v8, v10;
	v3 =	vadd.s32 $0x3E800, v61;
	[tilespmem:s13+$0xC740] =	vst v4  }
0x116: {  	[tilespmem:s13+$0xC840] =	vst v3;
	v3 =	vadd.s32 $0x1F400, v63  }
0x117: {  	[tilespmem:s13+$0xC7C0] =	vst v3  }
0x118: {  	_ =	swait.ge [sflag:s18], $0x5DC0  }
0x119: {  	[sflag:s18] =	ssyncset.done $0x0  }
0x11a: {  	[sflag:s18] =	ssyncadd.s32 $0xFFFFA240  }
0x11b: {  	[bflag:$0x0] =	sbarrier.arrive $0xFFFF  }
0x11c: {  	[spmem:s3] =	stream.indirect.scatter.add.f32 [tilespmem:s15], [sflag:$0x3], $0x1, s20, s19, $0xb8;
	[tilespmem:$0xCA40] =	vst v63  }
0x11d: {  	_ =	swait.ge [sflag:s21], $0x80  }
0x11e: {  	[sflag:s21] =	ssyncset.done $0x0  }
0x11f: {  	[sflag:s21] =	ssyncadd.s32 $0xFFFFFF80  }
0x120: {  	[spmem:s3] =	stream.indirect.scatter.add.f32 [tilespmem:s15], [sflag:$0x3], $0x1, s22, s19, $0xb8;
	[tilespmem:$0xCA40] =	vst v63  }
0x121: {  	_ =	swait.ge [sflag:s21], $0x80  }
0x122: {  	[sflag:s21] =	ssyncset.done $0x0  }
0x123: {  	[sflag:s21] =	ssyncadd.s32 $0xFFFFFF80  }
0x124: {  	[spmem:s3] =	stream.indirect.scatter.add.f32 [tilespmem:s15], [sflag:$0x3], $0x1, s23, s19, $0xb8;
	[tilespmem:$0xCA40] =	vst v63  }
0x125: {  	_ =	swait.ge [sflag:s21], $0x80  }
0x126: {  	[sflag:s21] =	ssyncset.done $0x0  }
0x127: {  	[sflag:s21] =	ssyncadd.s32 $0xFFFFFF80  }
0x128: {  	[spmem:s3] =	stream.indirect.scatter.add.f32 [tilespmem:s15], [sflag:$0x3], $0x1, s24, s19, $0xb8;
	[tilespmem:$0xCA40] =	vst v63  }
0x129: {  	_ =	swait.ge [sflag:s21], $0x80  }
0x12a: {  	[sflag:s21] =	ssyncset.done $0x0  }
0x12b: {  	[sflag:s21] =	ssyncadd.s32 $0xFFFFFF80  }
0x12c: {  	[spmem:s3] =	stream.indirect.scatter.add.f32 [tilespmem:s15], [sflag:$0x3], $0x1, s25, s19, $0xb8;
	[tilespmem:$0xCA40] =	vst v63  }
0x12d: {  	_ =	swait.ge [sflag:s21], $0x80  }
0x12e: {  	[sflag:s21] =	ssyncset.done $0x0  }
0x12f: {  	[sflag:s21] =	ssyncadd.s32 $0xFFFFFF80  }
0x130: {  	[spmem:s3] =	stream.indirect.scatter.add.f32 [tilespmem:s15], [sflag:$0x3], $0x1, s26, s19, $0xb8;
	[tilespmem:$0xCA40] =	vst v63  }
0x131: {  	_ =	swait.ge [sflag:s21], $0x80  }
0x132: {  	[sflag:s21] =	ssyncset.done $0x0  }
0x133: {  	[sflag:s21] =	ssyncadd.s32 $0xFFFFFF80  }
0x134: {  	[spmem:s3] =	stream.indirect.scatter.add.f32 [tilespmem:s15], [sflag:$0x3], $0x1, s28, s19, $0xb8;
	[tilespmem:$0xCA40] =	vst v63  }
0x135: {  	_ =	swait.ge [sflag:s21], $0x80  }
0x136: {  	[sflag:s21] =	ssyncset.done $0x0  }
0x137: {  	[sflag:s21] =	ssyncadd.s32 $0xFFFFFF80  }
0x138: {  	[spmem:s3] =	stream.indirect.scatter.add.f32 [tilespmem:s15], [sflag:$0x3], $0x1, s29, s19, $0xb8;
	[tilespmem:$0xCA40] =	vst v63  }
0x139: {  	_ =	swait.ge [sflag:s21], $0x80  }
0x13a: {  	[sflag:s21] =	ssyncset.done $0x0  }
0x13b: {  	[sflag:s21] =	ssyncadd.s32 $0xFFFFFF80  }
0x13c: {  	[spmem:s3] =	stream.indirect.scatter.add.f32 [tilespmem:s15], [sflag:$0x3], $0x1, s30, s19, $0xb8;
	[tilespmem:$0xCA40] =	vst v63  }
0x13d: {  	_ =	swait.ge [sflag:s21], $0x80  }
0x13e: {  	[sflag:s21] =	ssyncset.done $0x0  }
0x13f: {  	[sflag:s21] =	ssyncadd.s32 $0xFFFFFF80  }
0x140: {  	[spmem:s3] =	stream.indirect.scatter.add.f32 [tilespmem:s15], [sflag:$0x3], $0x1, s31, s19, $0xb8;
	[tilespmem:$0xCA40] =	vst v63  }
0x141: {  	_ =	swait.ge [sflag:s21], $0x80  }
0x142: {  	[sflag:s21] =	ssyncset.done $0x0  }
0x143: {  	[sflag:s21] =	ssyncadd.s32 $0xFFFFFF80  }
0x144: {  	[spmem:s3] =	stream.indirect.scatter.add.f32 [tilespmem:s15], [sflag:$0x3], $0x1, s0, s19, $0xb8;
	[tilespmem:$0xCA40] =	vst v63  }
0x145: {  	_ =	swait.ge [sflag:s21], $0x80  }
0x146: {  	[sflag:s21] =	ssyncset.done $0x0  }
0x147: {  	[sflag:s21] =	ssyncadd.s32 $0xFFFFFF80  }
0x148: {  	[spmem:s3] =	stream.indirect.scatter.add.f32 [tilespmem:s15], [sflag:$0x3], $0x1, s1, s19, $0xb8;
	[tilespmem:$0xCA40] =	vst v63  }
0x149: {  	_ =	swait.ge [sflag:s21], $0x80  }
0x14a: {  	[sflag:s21] =	ssyncset.done $0x0  }
0x14b: {  	[sflag:s21] =	ssyncadd.s32 $0xFFFFFF80  }
0x14c: {  	[bflag:$0x0] =	sbarrier.arrive $0xFFFF  }
0x14d: {  	[tilespmem:s16], [sflag:$0x3] =	stream.linear.gather [spmem:s9], $0x5DC0, $0x38;
	[tilespmem:$0xCA40] =	vst v63  }
0x14e: {  	s2 =	sadd.s32 $0x1, s2;
	_ =	swait.ge [sflag:s21], $0x5DC0  }
0x14f: {  	p0 =	sne.s32 s2, s11;
	[sflag:s21] =	ssyncset.done $0x0  }
.Ltmp5:
0x150: {  	[sflag:s21] =	ssyncadd.s32 $0xFFFFA240;
	(pc) =	sbr.rel @p0 .LBB2_1-.Ltmp5, $4  }
0x151: {  	[hbm4b:s10+s4] =	stream.linear.scatter [tilespmem:s16], [sflag:$0x3], $0x5DC0, $0x38;
	[tilespmem:$0xCA40] =	vst v63  }
0x152: {  	_ =	swait.ge [sflag:s21], $0x5DC0  }
0x153: {  	[sflag:s21] =	ssyncset.done $0x0  }
0x154: {  	[sflag:s21] =	ssyncadd.s32 $0xFFFFA240  }
0x155: {  	_ =	sfence.sel $0x180000  }
0x156: {  	[bflag:$0x0] =	sbarrier.arrive $0xFFFF  }
0x157: {  	_ =	strace $0x90000047  }
0x158: {  	s0 =	stileid.u32;
	[bflag:$0x2] =	sbarrier.arrive $0xFFFF  }
0x159: {  	p0 =	sne.s32 s0, $0x0;
	s0 =	rddreg [dreg:$0x3]  }
0x15a: {  	s0 =	sadd.s32 @!p0 $0x100000, s0  }
0x15b: {  	[sflag:s0] =	ssyncadd.tile.s32 @!p0 $0x1;
	_ =	shalt  }
.Lfunc_end2:
_tile_overlayer_lowered:
.L_overlay_start_2:
0x15c: {  	(tag) =	ssettag $0x2  }
0x15d: {  	s0 =	rddreg [dreg:$0x0];
	s2 =	stileid.u32  }
0x15e: {  	s1 =	rddreg [dreg:$0x1];
	p0 =	sne.s32 s2, $0x0  }
0x15f: {  	s3 =	rddreg [dreg:$0x2];
	[bflag:$0x3] =	sbarrier.arrive $0xFFFF;
	s2 =	simm.s32 @!p0 $0x1C03  }
0x160: {  	[timem:s3], [sflag:s2] =	dma.local @!p0 [hbm:s0], s1  }
0x161: {  	s0 =	simm.s32 @!p0 $0x3  }
0x162: {  	_ =	swait.ge @!p0 [sflag:s0], s1  }
0x163: {  	s1 =	ssub.s32 @!p0 $0x0, s1;
	[sflag:s0] =	ssyncset.done @!p0 $0x0  }
0x164: {  	[sflag:s0] =	ssyncadd.s32 @!p0 s1  }
0x165: {  	[bflag:$0x3] =	sbarrier.arrive $0xFFFF  }
0x166: {  	_ =	shalt  }

</sc_bundles>
